<compile_context>
chip_gen: v7x
topology: tpu7x:2x2x1
jax: 0.10.2.dev20260603
libtpu: 0.0.44.dev20260713+nightly
codegen_flags: <defaults>
</compile_context>

<pallas_src>
import functools

import jax
import jax.numpy as jnp
from jax import lax
from jax.experimental import pallas as pl
from jax.experimental.pallas import tpu as pltpu
from jax.experimental.pallas import tpu_sc as plsc

N = 10000
FX = 128
B = 64
FU = 64
GO = 128

NW = 32
CW = 312
SUB = 104
NSUB = 3
TAIL = N - NW * CW
NPAD = 10240


def _sc_segment_sums(x, batch_i32):
    mesh = plsc.VectorSubcoreMesh(core_axis_name="c", subcore_axis_name="s")
    ZR = B // 16

    @functools.partial(
        pl.kernel,
        mesh=mesh,
        out_type=jax.ShapeDtypeStruct((2, 2, B, FX), jnp.float32),
        scratch_types=[
            pltpu.VMEM((CW, FX), jnp.float32),
            pltpu.VMEM((NSUB, SUB), jnp.int32),
            pltpu.VMEM((TAIL, FX), jnp.float32),
            pltpu.VMEM((1, TAIL), jnp.int32),
            pltpu.VMEM((2 * ZR, FX), jnp.float32),
            pltpu.VMEM_SHARED((2, B, FX), jnp.float32),
            pltpu.SemaphoreType.DMA,
            pltpu.SemaphoreType.DMA,
            pltpu.SemaphoreType.DMA,
            pltpu.SemaphoreType.DMA,
            pltpu.SemaphoreType.DMA,
        ],
    )
    def k(x_hbm, b_hbm, sums_out, xv, idxv, xt, idxt, zv, accs,
          sg0, sg1, sg2, si, ss):
        cid = lax.axis_index("c")
        sid = lax.axis_index("s")
        wid = sid * 2 + cid
        base = wid * CW
        bank = sid % 2
        bpos = sid // 2
        sgs = (sg0, sg1, sg2)

        gets = [pltpu.async_copy(x_hbm.at[pl.ds(base + j * SUB, SUB)],
                                 xv.at[pl.ds(j * SUB, SUB)], sgs[j])
                for j in range(NSUB)]
        idx_gets = [pltpu.async_copy(b_hbm.at[pl.ds(base + j * SUB, SUB)],
                                     idxv.at[j], si)
                    for j in range(NSUB)]

        for r in range(2 * ZR):
            for c in range(FX // 16):
                zv[r, pl.ds(c * 16, 16)] = jnp.zeros((16,), jnp.float32)
        pltpu.sync_copy(zv, accs.at[bank, pl.ds(bpos * 2 * ZR, 2 * ZR)])

        for c in idx_gets:
            c.wait()

        plsc.subcore_barrier()

        puts = []
        for j in range(NSUB):
            gets[j].wait()
            puts.append(pltpu.async_copy(xv.at[pl.ds(j * SUB, SUB)],
                                         accs.at[bank].at[idxv.at[j]],
                                         ss, add=True))

        @pl.when(jnp.logical_and(sid == 15, cid == 1))
        def _():
            pltpu.sync_copy(x_hbm.at[pl.ds(NW * CW, TAIL)], xt)
            pltpu.sync_copy(b_hbm.at[pl.ds(NW * CW, TAIL)], idxt.at[0])
            pltpu.sync_copy(xt, accs.at[bank].at[idxt.at[0]], add=True)

        for c in puts:
            c.wait()

        plsc.subcore_barrier()

        pltpu.sync_copy(accs.at[bank, pl.ds(bpos * 2 * ZR, 2 * ZR)],
                        sums_out.at[cid, bank, pl.ds(bpos * 2 * ZR, 2 * ZR)])

    return k(x, batch_i32)


def _counts_body(b_ref, o_ref):
    t = b_ref[...]
    seg = lax.broadcasted_iota(jnp.int32, (B, N), 0)
    m = jnp.where(t[None, :] == seg, 1.0, 0.0)
    o_ref[...] = jnp.sum(m, axis=1, keepdims=True)


def _mlp_body(s_ref, c_ref, u_ref,
              g1, bt1, w1, bb1,
              g2, bt2, w2, bb2,
              g3, bt3, w3, bb3,
              o_ref):
    sums = jnp.sum(s_ref[...], axis=0)
    cnt = c_ref[...]
    pooled = sums / jnp.maximum(cnt, 1.0)

    def bn(h, g, b):
        mean = jnp.mean(h, axis=0, keepdims=True)
        v = jnp.mean((h - mean) ** 2, axis=0, keepdims=True)
        return (h - mean) * lax.rsqrt(v + 1e-5) * g.reshape(1, -1) \
            + b.reshape(1, -1)

    def dot_t(h, w):
        return lax.dot_general(h, w, (((1,), (1,)), ((), ())),
                               preferred_element_type=jnp.float32)

    def elu(h):
        return jnp.where(h > 0, h, jnp.exp(jnp.minimum(h, 0.0)) - 1.0)

    h = jnp.concatenate([u_ref[...], pooled], axis=1)
    h = bn(h, g1[...], bt1[...])
    h = lax.dot_general(h, w1[...], (((1,), (0,)), ((), ())),
                        preferred_element_type=jnp.float32) \
        + bb1[...].reshape(1, -1)
    h = elu(h)
    h = bn(h, g2[...], bt2[...])
    h = dot_t(h, w2[...]) + bb2[...].reshape(1, -1)
    h = elu(h)
    h = bn(h, g3[...], bt3[...])
    o_ref[...] = dot_t(h, w3[...]) + bb3[...].reshape(1, -1)


def kernel(x, edge_index, edge_attr, u, batch,
           bn1_g, bn1_b, W1, b1,
           bn2_g, bn2_b, W2, b2,
           bn3_g, bn3_b, W3, b3):
    del edge_index, edge_attr
    batch_i32 = batch if batch.dtype == jnp.int32 else batch.astype(jnp.int32)

    cnt = pl.pallas_call(
        _counts_body,
        out_shape=jax.ShapeDtypeStruct((B, 1), jnp.float32),
    )(batch_i32)

    sums2 = _sc_segment_sums(x, batch_i32).reshape(4, B, FX)

    return pl.pallas_call(
        _mlp_body,
        out_shape=jax.ShapeDtypeStruct((B, GO), jnp.float32),
    )(sums2, cnt, u,
      bn1_g, bn1_b, W1.T, b1,
      bn2_g, bn2_b, W2, b2,
      bn3_g, bn3_b, W3, b3)

# --- scband reference (transcript-rebuilt; emitter-appended) ---
"""Pipeline reference for scband-global-model-2645699854469 (READ-ONLY COPY).

The authoritative reference and input builder live on the scoring server;
editing this copy changes nothing except your own understanding.
"""

import jax, jax.numpy as jnp
import numpy as np

N = 10000
E = 320000
FX = 128
FE = 16
B = 64
FU = 64
GO = 128


def _bn(h, gamma, beta, eps=1e-5):
    # BatchNorm1d in training mode: batch statistics, biased variance
    mean = jnp.mean(h, axis=0, keepdims=True)
    var = jnp.var(h, axis=0, keepdims=True)
    return (h - mean) / jnp.sqrt(var + eps) * gamma + beta


def setup_inputs(seed: int = 0) -> dict:
    key = jax.random.key(seed)
    ks = [jax.random.fold_in(key, i) for i in range(20)]
    x = jax.random.normal(ks[0], (N, FX), dtype=jnp.float32)
    edge_index = jax.random.randint(ks[1], (2, E), 0, N, dtype=jnp.int64)
    edge_attr = jax.random.normal(ks[2], (E, FE), dtype=jnp.float32)
    u = jax.random.normal(ks[3], (B, FU), dtype=jnp.float32)
    batch = jnp.sort(jax.random.randint(ks[4], (N,), 0, B, dtype=jnp.int64))
    din = FX + FU
    params = {
        'bn1_g': jnp.ones((din,), jnp.float32),
        'bn1_b': jnp.zeros((din,), jnp.float32),
        'W1': jax.random.normal(ks[5], (GO, din), jnp.float32) * 0.05,
        'b1': jnp.zeros((GO,), jnp.float32),
        'bn2_g': jnp.ones((GO,), jnp.float32),
        'bn2_b': jnp.zeros((GO,), jnp.float32),
        'W2': jax.random.normal(ks[6], (GO, GO), jnp.float32) * 0.05,
        'b2': jnp.zeros((GO,), jnp.float32),
        'bn3_g': jnp.ones((GO,), jnp.float32),
        'bn3_b': jnp.zeros((GO,), jnp.float32),
        'W3': jax.random.normal(ks[7], (GO, GO), jnp.float32) * 0.05,
        'b3': jnp.zeros((GO,), jnp.float32),
    }
    inp = {'x': x, 'edge_index': edge_index, 'edge_attr': edge_attr, 'u': u, 'batch': batch}
    inp.update(params)
    return inp


def reference(x, edge_index, edge_attr, u, batch,
              bn1_g, bn1_b, W1, b1,
              bn2_g, bn2_b, W2, b2,
              bn3_g, bn3_b, W3, b3):
    # scatter_mean(x, batch, dim=0)
    sums = jax.ops.segment_sum(x, batch, num_segments=B)
    counts = jax.ops.segment_sum(jnp.ones((x.shape[0],), x.dtype), batch, num_segments=B)
    pooled = sums / jnp.maximum(counts, 1.0)[:, None]
    out = jnp.concatenate([u, pooled], axis=1)
    h = _bn(out, bn1_g, bn1_b)
    h = h @ W1.T + b1
    h = jax.nn.elu(h)
    h = _bn(h, bn2_g, bn2_b)
    h = h @ W2.T + b2
    h = jax.nn.elu(h)
    h = _bn(h, bn3_g, bn3_b)
    h = h @ W3.T + b3
    return h

if __name__ == "__main__":
    import jax
    _d = setup_inputs()
    print(jax.jit(kernel)(*tuple(_d.values())))

</pallas_src>

<mosaic_0001>
#map = affine_map<(d0, d1) -> (0, 0)>
#map1 = affine_map<(d0, d1) -> (0)>
#map2 = affine_map<(d0, d1) -> (0, 0, 0, 0)>
module attributes {stable_mosaic.version = 14 : i64} {
  func.func @k(%arg0: i32, %arg1: i32, %arg2: memref<10000x128xf32, #tpu.memory_space<hbm>>, %arg3: memref<10000xi32, #tpu.memory_space<hbm>>, %arg4: memref<2x2x64x128xf32, #tpu.memory_space<hbm>>, %arg5: memref<312x128xf32, #tpu.memory_space<vmem>>, %arg6: memref<3x104xi32, #tpu.memory_space<vmem>>, %arg7: memref<16x128xf32, #tpu.memory_space<vmem>>, %arg8: memref<1x16xi32, #tpu.memory_space<vmem>>, %arg9: memref<8x128xf32, #tpu.memory_space<vmem>>, %arg10: memref<2x64x128xf32, #tpu.memory_space<vmem_shared>>, %arg11: memref<!tpu.dma_semaphore, #tpu.memory_space<semaphore_mem>>, %arg12: memref<!tpu.dma_semaphore, #tpu.memory_space<semaphore_mem>>, %arg13: memref<!tpu.dma_semaphore, #tpu.memory_space<semaphore_mem>>, %arg14: memref<!tpu.dma_semaphore, #tpu.memory_space<semaphore_mem>>, %arg15: memref<!tpu.dma_semaphore, #tpu.memory_space<semaphore_mem>>) attributes {dimension_semantics = [#tpu.dimension_semantics<core_parallel>, #tpu.dimension_semantics<subcore_parallel>], iteration_bounds = array<i64: 2, 16>, scalar_prefetch = 0 : i64, scratch_operands = 11 : i64, tpu.core_type = #tpu.core_type<sc_vector_subcore>, window_params = [{transform_indices = #map}, {transform_indices = #map1}, {transform_indices = #map2}]} {
    %mul3A = arith.constant 2 : i32
    %mul3A_0 = arith.muli %arg1, %mul3A : i32
    %add3A = arith.addi %mul3A_0, %arg0 : i32
    %mul3A_1 = arith.constant 312 : i32
    %mul3A_2 = arith.muli %add3A, %mul3A_1 : i32
    %jit3A = arith.constant 2 : i32
    %eq3A = arith.constant 0 : i32
    %eq3A_3 = arith.cmpi eq, %jit3A, %eq3A : i32
    %jit3A_4 = arith.constant 1 : i32
    %select_n3A = arith.select %eq3A_3, %jit3A_4, %jit3A : i32
    %rem3A = arith.remsi %arg1, %select_n3A : i32
    %ne3A = arith.constant 0 : i32
    %ne3A_5 = arith.cmpi ne, %rem3A, %ne3A : i32
    %lt3A = arith.constant 0 : i32
    %lt3A_6 = arith.cmpi slt, %rem3A, %lt3A : i32
    %lt3A_7 = arith.constant 0 : i32
    %lt3A_8 = arith.cmpi slt, %select_n3A, %lt3A_7 : i32
    %ne3A_9 = arith.xori %lt3A_6, %lt3A_8 : i1
    %and3A = arith.andi %ne3A_9, %ne3A_5 : i1
    %add3A_10 = arith.addi %rem3A, %select_n3A : i32
    %select_n3A_11 = arith.select %and3A, %add3A_10, %rem3A : i32
    %jit3A_12 = arith.constant 2 : i32
    %div3A = arith.divsi %arg1, %jit3A_12 : i32
    %sign3A = arith.constant 0 : i32
    %sign3A_13 = arith.cmpi sgt, %arg1, %sign3A : i32
    %sign3A_14 = arith.extui %sign3A_13 : i1 to i32
    %sign3A_15 = arith.constant 0 : i32
    %sign3A_16 = arith.cmpi slt, %arg1, %sign3A_15 : i32
    %sign3A_17 = arith.extui %sign3A_16 : i1 to i32
    %sign3A_18 = arith.subi %sign3A_14, %sign3A_17 : i32
    %sign3A_19 = arith.constant 0 : i32
    %sign3A_20 = arith.cmpi sgt, %jit3A_12, %sign3A_19 : i32
    %sign3A_21 = arith.extui %sign3A_20 : i1 to i32
    %sign3A_22 = arith.constant 0 : i32
    %sign3A_23 = arith.cmpi slt, %jit3A_12, %sign3A_22 : i32
    %sign3A_24 = arith.extui %sign3A_23 : i1 to i32
    %sign3A_25 = arith.subi %sign3A_21, %sign3A_24 : i32
    %ne3A_26 = arith.cmpi ne, %sign3A_18, %sign3A_25 : i32
    %rem3A_27 = arith.remsi %arg1, %jit3A_12 : i32
    %ne3A_28 = arith.constant 0 : i32
    %ne3A_29 = arith.cmpi ne, %rem3A_27, %ne3A_28 : i32
    %and3A_30 = arith.andi %ne3A_26, %ne3A_29 : i1
    %sub3A = arith.constant 1 : i32
    %sub3A_31 = arith.subi %div3A, %sub3A : i32
    %select_n3A_32 = arith.select %and3A_30, %sub3A_31, %div3A : i32
    %add3A_33 = arith.constant 0 : i32
    %add3A_34 = arith.addi %mul3A_2, %add3A_33 : i32
    %dma_start3A = arith.constant 0 : i32
    %dma_start3A_35 = arith.constant 0 : i32
    %dma_start3A_36 = tpu.memref_slice %arg5[%dma_start3A, %dma_start3A_35] : memref<312x128xf32, #tpu.memory_space<vmem>> -> memref<104x128xf32, #tpu.memory_space<vmem>>
    %dma_start3A_37 = arith.constant 0 : i32
    %dma_start3A_38 = tpu.memref_slice %arg2[%add3A_34, %dma_start3A_37] : memref<10000x128xf32, #tpu.memory_space<hbm>> -> memref<104x128xf32, #tpu.memory_space<hbm>>
    %dma_start3A_39 = arith.constant 0 : i32
    %dma_start3A_40 = arith.constant 0 : i32
    %dma_start3A_41 = tpu.memref_slice %arg5[%dma_start3A_39, %dma_start3A_40] : memref<312x128xf32, #tpu.memory_space<vmem>> -> memref<104x128xf32, #tpu.memory_space<vmem>>
    %dma_start3A_42 = arith.constant 0 : i32
    %dma_start3A_43 = tpu.memref_slice %arg2[%add3A_34, %dma_start3A_42] : memref<10000x128xf32, #tpu.memory_space<hbm>> -> memref<104x128xf32, #tpu.memory_space<hbm>>
    tpu.enqueue_dma source(%dma_start3A_43 : memref<104x128xf32, #tpu.memory_space<hbm>>) target(%dma_start3A_41 : memref<104x128xf32, #tpu.memory_space<vmem>>) target_semaphore(%arg11 : memref<!tpu.dma_semaphore, #tpu.memory_space<semaphore_mem>>)
    %add3A_44 = arith.constant 104 : i32
    %add3A_45 = arith.addi %mul3A_2, %add3A_44 : i32
    %dma_start3A_46 = arith.constant 104 : i32
    %dma_start3A_47 = arith.constant 0 : i32
    %dma_start3A_48 = tpu.memref_slice %arg5[%dma_start3A_46, %dma_start3A_47] : memref<312x128xf32, #tpu.memory_space<vmem>> -> memref<104x128xf32, #tpu.memory_space<vmem>>
    %dma_start3A_49 = arith.constant 0 : i32
    %dma_start3A_50 = tpu.memref_slice %arg2[%add3A_45, %dma_start3A_49] : memref<10000x128xf32, #tpu.memory_space<hbm>> -> memref<104x128xf32, #tpu.memory_space<hbm>>
    %dma_start3A_51 = arith.constant 104 : i32
    %dma_start3A_52 = arith.constant 0 : i32
    %dma_start3A_53 = tpu.memref_slice %arg5[%dma_start3A_51, %dma_start3A_52] : memref<312x128xf32, #tpu.memory_space<vmem>> -> memref<104x128xf32, #tpu.memory_space<vmem>>
    %dma_start3A_54 = arith.constant 0 : i32
    %dma_start3A_55 = tpu.memref_slice %arg2[%add3A_45, %dma_start3A_54] : memref<10000x128xf32, #tpu.memory_space<hbm>> -> memref<104x128xf32, #tpu.memory_space<hbm>>
    tpu.enqueue_dma source(%dma_start3A_55 : memref<104x128xf32, #tpu.memory_space<hbm>>) target(%dma_start3A_53 : memref<104x128xf32, #tpu.memory_space<vmem>>) target_semaphore(%arg12 : memref<!tpu.dma_semaphore, #tpu.memory_space<semaphore_mem>>)
    %add3A_56 = arith.constant 208 : i32
    %add3A_57 = arith.addi %mul3A_2, %add3A_56 : i32
    %dma_start3A_58 = arith.constant 208 : i32
    %dma_start3A_59 = arith.constant 0 : i32
    %dma_start3A_60 = tpu.memref_slice %arg5[%dma_start3A_58, %dma_start3A_59] : memref<312x128xf32, #tpu.memory_space<vmem>> -> memref<104x128xf32, #tpu.memory_space<vmem>>
    %dma_start3A_61 = arith.constant 0 : i32
    %dma_start3A_62 = tpu.memref_slice %arg2[%add3A_57, %dma_start3A_61] : memref<10000x128xf32, #tpu.memory_space<hbm>> -> memref<104x128xf32, #tpu.memory_space<hbm>>
    %dma_start3A_63 = arith.constant 208 : i32
    %dma_start3A_64 = arith.constant 0 : i32
    %dma_start3A_65 = tpu.memref_slice %arg5[%dma_start3A_63, %dma_start3A_64] : memref<312x128xf32, #tpu.memory_space<vmem>> -> memref<104x128xf32, #tpu.memory_space<vmem>>
    %dma_start3A_66 = arith.constant 0 : i32
    %dma_start3A_67 = tpu.memref_slice %arg2[%add3A_57, %dma_start3A_66] : memref<10000x128xf32, #tpu.memory_space<hbm>> -> memref<104x128xf32, #tpu.memory_space<hbm>>
    tpu.enqueue_dma source(%dma_start3A_67 : memref<104x128xf32, #tpu.memory_space<hbm>>) target(%dma_start3A_65 : memref<104x128xf32, #tpu.memory_space<vmem>>) target_semaphore(%arg13 : memref<!tpu.dma_semaphore, #tpu.memory_space<semaphore_mem>>)
    %add3A_68 = arith.constant 0 : i32
    %add3A_69 = arith.addi %mul3A_2, %add3A_68 : i32
    %dma_start3A_70 = arith.constant 0 : i32
    %dma_start3A_71 = arith.constant 0 : i32
    %dma_start3A_72 = tpu.memref_slice %arg6[%dma_start3A_70, %dma_start3A_71] : memref<3x104xi32, #tpu.memory_space<vmem>> -> memref<1x104xi32, #tpu.memory_space<vmem>>
    %dma_start3A_73 = tpu.memref_squeeze %dma_start3A_72 : memref<1x104xi32, #tpu.memory_space<vmem>> -> memref<104xi32, #tpu.memory_space<vmem>>
    %dma_start3A_74 = tpu.memref_slice %arg3[%add3A_69] : memref<10000xi32, #tpu.memory_space<hbm>> -> memref<104xi32, #tpu.memory_space<hbm>>
    %dma_start3A_75 = arith.constant 0 : i32
    %dma_start3A_76 = tpu.memref_slice %arg6[%dma_start3A_70, %dma_start3A_75] : memref<3x104xi32, #tpu.memory_space<vmem>> -> memref<1x104xi32, #tpu.memory_space<vmem>>
    %dma_start3A_77 = tpu.memref_squeeze %dma_start3A_76 : memref<1x104xi32, #tpu.memory_space<vmem>> -> memref<104xi32, #tpu.memory_space<vmem>>
    %dma_start3A_78 = tpu.memref_slice %arg3[%add3A_69] : memref<10000xi32, #tpu.memory_space<hbm>> -> memref<104xi32, #tpu.memory_space<hbm>>
    tpu.enqueue_dma source(%dma_start3A_78 : memref<104xi32, #tpu.memory_space<hbm>>) target(%dma_start3A_77 : memref<104xi32, #tpu.memory_space<vmem>>) target_semaphore(%arg14 : memref<!tpu.dma_semaphore, #tpu.memory_space<semaphore_mem>>)
    %add3A_79 = arith.constant 104 : i32
    %add3A_80 = arith.addi %mul3A_2, %add3A_79 : i32
    %dma_start3A_81 = arith.constant 1 : i32
    %dma_start3A_82 = arith.constant 0 : i32
    %dma_start3A_83 = tpu.memref_slice %arg6[%dma_start3A_81, %dma_start3A_82] : memref<3x104xi32, #tpu.memory_space<vmem>> -> memref<1x104xi32, #tpu.memory_space<vmem>>
    %dma_start3A_84 = tpu.memref_squeeze %dma_start3A_83 : memref<1x104xi32, #tpu.memory_space<vmem>> -> memref<104xi32, #tpu.memory_space<vmem>>
    %dma_start3A_85 = tpu.memref_slice %arg3[%add3A_80] : memref<10000xi32, #tpu.memory_space<hbm>> -> memref<104xi32, #tpu.memory_space<hbm>>
    %dma_start3A_86 = arith.constant 0 : i32
    %dma_start3A_87 = tpu.memref_slice %arg6[%dma_start3A_81, %dma_start3A_86] : memref<3x104xi32, #tpu.memory_space<vmem>> -> memref<1x104xi32, #tpu.memory_space<vmem>>
    %dma_start3A_88 = tpu.memref_squeeze %dma_start3A_87 : memref<1x104xi32, #tpu.memory_space<vmem>> -> memref<104xi32, #tpu.memory_space<vmem>>
    %dma_start3A_89 = tpu.memref_slice %arg3[%add3A_80] : memref<10000xi32, #tpu.memory_space<hbm>> -> memref<104xi32, #tpu.memory_space<hbm>>
    tpu.enqueue_dma source(%dma_start3A_89 : memref<104xi32, #tpu.memory_space<hbm>>) target(%dma_start3A_88 : memref<104xi32, #tpu.memory_space<vmem>>) target_semaphore(%arg14 : memref<!tpu.dma_semaphore, #tpu.memory_space<semaphore_mem>>)
    %add3A_90 = arith.constant 208 : i32
    %add3A_91 = arith.addi %mul3A_2, %add3A_90 : i32
    %dma_start3A_92 = arith.constant 2 : i32
    %dma_start3A_93 = arith.constant 0 : i32
    %dma_start3A_94 = tpu.memref_slice %arg6[%dma_start3A_92, %dma_start3A_93] : memref<3x104xi32, #tpu.memory_space<vmem>> -> memref<1x104xi32, #tpu.memory_space<vmem>>
    %dma_start3A_95 = tpu.memref_squeeze %dma_start3A_94 : memref<1x104xi32, #tpu.memory_space<vmem>> -> memref<104xi32, #tpu.memory_space<vmem>>
    %dma_start3A_96 = tpu.memref_slice %arg3[%add3A_91] : memref<10000xi32, #tpu.memory_space<hbm>> -> memref<104xi32, #tpu.memory_space<hbm>>
    %dma_start3A_97 = arith.constant 0 : i32
    %dma_start3A_98 = tpu.memref_slice %arg6[%dma_start3A_92, %dma_start3A_97] : memref<3x104xi32, #tpu.memory_space<vmem>> -> memref<1x104xi32, #tpu.memory_space<vmem>>
    %dma_start3A_99 = tpu.memref_squeeze %dma_start3A_98 : memref<1x104xi32, #tpu.memory_space<vmem>> -> memref<104xi32, #tpu.memory_space<vmem>>
    %dma_start3A_100 = tpu.memref_slice %arg3[%add3A_91] : memref<10000xi32, #tpu.memory_space<hbm>> -> memref<104xi32, #tpu.memory_space<hbm>>
    tpu.enqueue_dma source(%dma_start3A_100 : memref<104xi32, #tpu.memory_space<hbm>>) target(%dma_start3A_99 : memref<104xi32, #tpu.memory_space<vmem>>) target_semaphore(%arg14 : memref<!tpu.dma_semaphore, #tpu.memory_space<semaphore_mem>>)
    %broadcast_in_dim3A = arith.constant 0.000000e+00 : f32
    %broadcast_in_dim3A_101 = vector.broadcast %broadcast_in_dim3A : f32 to vector<16xf32>
    %swap3A = arith.constant 0 : i32
    %swap3A_102 = arith.index_cast %swap3A : i32 to index
    %swap3A_103 = arith.constant 0 : index
    %swap3A_104 = tpu.vector_load %arg9[%swap3A_102, %swap3A_103] {strides = array<i32>} : memref<8x128xf32, #tpu.memory_space<vmem>>, vector<1x16xf32>,
    %swap3A_105 = vector.shape_cast %swap3A_104 : vector<1x16xf32> to vector<16xf32>
    %swap3A_106 = vector.shape_cast %broadcast_in_dim3A_101 : vector<16xf32> to vector<1x16xf32>
    tpu.vector_store %arg9[%swap3A_102, %swap3A_103], %swap3A_106 {strides = array<i32>} : memref<8x128xf32, #tpu.memory_space<vmem>>, vector<1x16xf32>,
    %broadcast_in_dim3A_107 = arith.constant 0.000000e+00 : f32
    %broadcast_in_dim3A_108 = vector.broadcast %broadcast_in_dim3A_107 : f32 to vector<16xf32>
    %swap3A_109 = arith.constant 0 : i32
    %swap3A_110 = arith.index_cast %swap3A_109 : i32 to index
    %swap3A_111 = arith.constant 16 : index
    %swap3A_112 = tpu.vector_load %arg9[%swap3A_110, %swap3A_111] {strides = array<i32>} : memref<8x128xf32, #tpu.memory_space<vmem>>, vector<1x16xf32>,
    %swap3A_113 = vector.shape_cast %swap3A_112 : vector<1x16xf32> to vector<16xf32>
    %swap3A_114 = vector.shape_cast %broadcast_in_dim3A_108 : vector<16xf32> to vector<1x16xf32>
    tpu.vector_store %arg9[%swap3A_110, %swap3A_111], %swap3A_114 {strides = array<i32>} : memref<8x128xf32, #tpu.memory_space<vmem>>, vector<1x16xf32>,
    %broadcast_in_dim3A_115 = arith.constant 0.000000e+00 : f32
    %broadcast_in_dim3A_116 = vector.broadcast %broadcast_in_dim3A_115 : f32 to vector<16xf32>
    %swap3A_117 = arith.constant 0 : i32
    %swap3A_118 = arith.index_cast %swap3A_117 : i32 to index
    %swap3A_119 = arith.constant 32 : index
    %swap3A_120 = tpu.vector_load %arg9[%swap3A_118, %swap3A_119] {strides = array<i32>} : memref<8x128xf32, #tpu.memory_space<vmem>>, vector<1x16xf32>,
    %swap3A_121 = vector.shape_cast %swap3A_120 : vector<1x16xf32> to vector<16xf32>
    %swap3A_122 = vector.shape_cast %broadcast_in_dim3A_116 : vector<16xf32> to vector<1x16xf32>
    tpu.vector_store %arg9[%swap3A_118, %swap3A_119], %swap3A_122 {strides = array<i32>} : memref<8x128xf32, #tpu.memory_space<vmem>>, vector<1x16xf32>,
    %broadcast_in_dim3A_123 = arith.constant 0.000000e+00 : f32
    %broadcast_in_dim3A_124 = vector.broadcast %broadcast_in_dim3A_123 : f32 to vector<16xf32>
    %swap3A_125 = arith.constant 0 : i32
    %swap3A_126 = arith.index_cast %swap3A_125 : i32 to index
    %swap3A_127 = arith.constant 48 : index
    %swap3A_128 = tpu.vector_load %arg9[%swap3A_126, %swap3A_127] {strides = array<i32>} : memref<8x128xf32, #tpu.memory_space<vmem>>, vector<1x16xf32>,
    %swap3A_129 = vector.shape_cast %swap3A_128 : vector<1x16xf32> to vector<16xf32>
    %swap3A_130 = vector.shape_cast %broadcast_in_dim3A_124 : vector<16xf32> to vector<1x16xf32>
    tpu.vector_store %arg9[%swap3A_126, %swap3A_127], %swap3A_130 {strides = array<i32>} : memref<8x128xf32, #tpu.memory_space<vmem>>, vector<1x16xf32>,
    %broadcast_in_dim3A_131 = arith.constant 0.000000e+00 : f32
    %broadcast_in_dim3A_132 = vector.broadcast %broadcast_in_dim3A_131 : f32 to vector<16xf32>
    %swap3A_133 = arith.constant 0 : i32
    %swap3A_134 = arith.index_cast %swap3A_133 : i32 to index
    %swap3A_135 = arith.constant 64 : index
    %swap3A_136 = tpu.vector_load %arg9[%swap3A_134, %swap3A_135] {strides = array<i32>} : memref<8x128xf32, #tpu.memory_space<vmem>>, vector<1x16xf32>,
    %swap3A_137 = vector.shape_cast %swap3A_136 : vector<1x16xf32> to vector<16xf32>
    %swap3A_138 = vector.shape_cast %broadcast_in_dim3A_132 : vector<16xf32> to vector<1x16xf32>
    tpu.vector_store %arg9[%swap3A_134, %swap3A_135], %swap3A_138 {strides = array<i32>} : memref<8x128xf32, #tpu.memory_space<vmem>>, vector<1x16xf32>,
    %broadcast_in_dim3A_139 = arith.constant 0.000000e+00 : f32
    %broadcast_in_dim3A_140 = vector.broadcast %broadcast_in_dim3A_139 : f32 to vector<16xf32>
    %swap3A_141 = arith.constant 0 : i32
    %swap3A_142 = arith.index_cast %swap3A_141 : i32 to index
    %swap3A_143 = arith.constant 80 : index
    %swap3A_144 = tpu.vector_load %arg9[%swap3A_142, %swap3A_143] {strides = array<i32>} : memref<8x128xf32, #tpu.memory_space<vmem>>, vector<1x16xf32>,
    %swap3A_145 = vector.shape_cast %swap3A_144 : vector<1x16xf32> to vector<16xf32>
    %swap3A_146 = vector.shape_cast %broadcast_in_dim3A_140 : vector<16xf32> to vector<1x16xf32>
    tpu.vector_store %arg9[%swap3A_142, %swap3A_143], %swap3A_146 {strides = array<i32>} : memref<8x128xf32, #tpu.memory_space<vmem>>, vector<1x16xf32>,
    %broadcast_in_dim3A_147 = arith.constant 0.000000e+00 : f32
    %broadcast_in_dim3A_148 = vector.broadcast %broadcast_in_dim3A_147 : f32 to vector<16xf32>
    %swap3A_149 = arith.constant 0 : i32
    %swap3A_150 = arith.index_cast %swap3A_149 : i32 to index
    %swap3A_151 = arith.constant 96 : index
    %swap3A_152 = tpu.vector_load %arg9[%swap3A_150, %swap3A_151] {strides = array<i32>} : memref<8x128xf32, #tpu.memory_space<vmem>>, vector<1x16xf32>,
    %swap3A_153 = vector.shape_cast %swap3A_152 : vector<1x16xf32> to vector<16xf32>
    %swap3A_154 = vector.shape_cast %broadcast_in_dim3A_148 : vector<16xf32> to vector<1x16xf32>
    tpu.vector_store %arg9[%swap3A_150, %swap3A_151], %swap3A_154 {strides = array<i32>} : memref<8x128xf32, #tpu.memory_space<vmem>>, vector<1x16xf32>,
    %broadcast_in_dim3A_155 = arith.constant 0.000000e+00 : f32
    %broadcast_in_dim3A_156 = vector.broadcast %broadcast_in_dim3A_155 : f32 to vector<16xf32>
    %swap3A_157 = arith.constant 0 : i32
    %swap3A_158 = arith.index_cast %swap3A_157 : i32 to index
    %swap3A_159 = arith.constant 112 : index
    %swap3A_160 = tpu.vector_load %arg9[%swap3A_158, %swap3A_159] {strides = array<i32>} : memref<8x128xf32, #tpu.memory_space<vmem>>, vector<1x16xf32>,
    %swap3A_161 = vector.shape_cast %swap3A_160 : vector<1x16xf32> to vector<16xf32>
    %swap3A_162 = vector.shape_cast %broadcast_in_dim3A_156 : vector<16xf32> to vector<1x16xf32>
    tpu.vector_store %arg9[%swap3A_158, %swap3A_159], %swap3A_162 {strides = array<i32>} : memref<8x128xf32, #tpu.memory_space<vmem>>, vector<1x16xf32>,
    %broadcast_in_dim3A_163 = arith.constant 0.000000e+00 : f32
    %broadcast_in_dim3A_164 = vector.broadcast %broadcast_in_dim3A_163 : f32 to vector<16xf32>
    %swap3A_165 = arith.constant 1 : i32
    %swap3A_166 = arith.index_cast %swap3A_165 : i32 to index
    %swap3A_167 = arith.constant 0 : index
    %swap3A_168 = tpu.vector_load %arg9[%swap3A_166, %swap3A_167] {strides = array<i32>} : memref<8x128xf32, #tpu.memory_space<vmem>>, vector<1x16xf32>,
    %swap3A_169 = vector.shape_cast %swap3A_168 : vector<1x16xf32> to vector<16xf32>
    %swap3A_170 = vector.shape_cast %broadcast_in_dim3A_164 : vector<16xf32> to vector<1x16xf32>
    tpu.vector_store %arg9[%swap3A_166, %swap3A_167], %swap3A_170 {strides = array<i32>} : memref<8x128xf32, #tpu.memory_space<vmem>>, vector<1x16xf32>,
    %broadcast_in_dim3A_171 = arith.constant 0.000000e+00 : f32
    %broadcast_in_dim3A_172 = vector.broadcast %broadcast_in_dim3A_171 : f32 to vector<16xf32>
    %swap3A_173 = arith.constant 1 : i32
    %swap3A_174 = arith.index_cast %swap3A_173 : i32 to index
    %swap3A_175 = arith.constant 16 : index
    %swap3A_176 = tpu.vector_load %arg9[%swap3A_174, %swap3A_175] {strides = array<i32>} : memref<8x128xf32, #tpu.memory_space<vmem>>, vector<1x16xf32>,
    %swap3A_177 = vector.shape_cast %swap3A_176 : vector<1x16xf32> to vector<16xf32>
    %swap3A_178 = vector.shape_cast %broadcast_in_dim3A_172 : vector<16xf32> to vector<1x16xf32>
    tpu.vector_store %arg9[%swap3A_174, %swap3A_175], %swap3A_178 {strides = array<i32>} : memref<8x128xf32, #tpu.memory_space<vmem>>, vector<1x16xf32>,
    %broadcast_in_dim3A_179 = arith.constant 0.000000e+00 : f32
    %broadcast_in_dim3A_180 = vector.broadcast %broadcast_in_dim3A_179 : f32 to vector<16xf32>
    %swap3A_181 = arith.constant 1 : i32
    %swap3A_182 = arith.index_cast %swap3A_181 : i32 to index
    %swap3A_183 = arith.constant 32 : index
    %swap3A_184 = tpu.vector_load %arg9[%swap3A_182, %swap3A_183] {strides = array<i32>} : memref<8x128xf32, #tpu.memory_space<vmem>>, vector<1x16xf32>,
    %swap3A_185 = vector.shape_cast %swap3A_184 : vector<1x16xf32> to vector<16xf32>
    %swap3A_186 = vector.shape_cast %broadcast_in_dim3A_180 : vector<16xf32> to vector<1x16xf32>
    tpu.vector_store %arg9[%swap3A_182, %swap3A_183], %swap3A_186 {strides = array<i32>} : memref<8x128xf32, #tpu.memory_space<vmem>>, vector<1x16xf32>,
    %broadcast_in_dim3A_187 = arith.constant 0.000000e+00 : f32
    %broadcast_in_dim3A_188 = vector.broadcast %broadcast_in_dim3A_187 : f32 to vector<16xf32>
    %swap3A_189 = arith.constant 1 : i32
    %swap3A_190 = arith.index_cast %swap3A_189 : i32 to index
    %swap3A_191 = arith.constant 48 : index
    %swap3A_192 = tpu.vector_load %arg9[%swap3A_190, %swap3A_191] {strides = array<i32>} : memref<8x128xf32, #tpu.memory_space<vmem>>, vector<1x16xf32>,
    %swap3A_193 = vector.shape_cast %swap3A_192 : vector<1x16xf32> to vector<16xf32>
    %swap3A_194 = vector.shape_cast %broadcast_in_dim3A_188 : vector<16xf32> to vector<1x16xf32>
    tpu.vector_store %arg9[%swap3A_190, %swap3A_191], %swap3A_194 {strides = array<i32>} : memref<8x128xf32, #tpu.memory_space<vmem>>, vector<1x16xf32>,
    %broadcast_in_dim3A_195 = arith.constant 0.000000e+00 : f32
    %broadcast_in_dim3A_196 = vector.broadcast %broadcast_in_dim3A_195 : f32 to vector<16xf32>
    %swap3A_197 = arith.constant 1 : i32
    %swap3A_198 = arith.index_cast %swap3A_197 : i32 to index
    %swap3A_199 = arith.constant 64 : index
    %swap3A_200 = tpu.vector_load %arg9[%swap3A_198, %swap3A_199] {strides = array<i32>} : memref<8x128xf32, #tpu.memory_space<vmem>>, vector<1x16xf32>,
    %swap3A_201 = vector.shape_cast %swap3A_200 : vector<1x16xf32> to vector<16xf32>
    %swap3A_202 = vector.shape_cast %broadcast_in_dim3A_196 : vector<16xf32> to vector<1x16xf32>
    tpu.vector_store %arg9[%swap3A_198, %swap3A_199], %swap3A_202 {strides = array<i32>} : memref<8x128xf32, #tpu.memory_space<vmem>>, vector<1x16xf32>,
    %broadcast_in_dim3A_203 = arith.constant 0.000000e+00 : f32
    %broadcast_in_dim3A_204 = vector.broadcast %broadcast_in_dim3A_203 : f32 to vector<16xf32>
    %swap3A_205 = arith.constant 1 : i32
    %swap3A_206 = arith.index_cast %swap3A_205 : i32 to index
    %swap3A_207 = arith.constant 80 : index
    %swap3A_208 = tpu.vector_load %arg9[%swap3A_206, %swap3A_207] {strides = array<i32>} : memref<8x128xf32, #tpu.memory_space<vmem>>, vector<1x16xf32>,
    %swap3A_209 = vector.shape_cast %swap3A_208 : vector<1x16xf32> to vector<16xf32>
    %swap3A_210 = vector.shape_cast %broadcast_in_dim3A_204 : vector<16xf32> to vector<1x16xf32>
    tpu.vector_store %arg9[%swap3A_206, %swap3A_207], %swap3A_210 {strides = array<i32>} : memref<8x128xf32, #tpu.memory_space<vmem>>, vector<1x16xf32>,
    %broadcast_in_dim3A_211 = arith.constant 0.000000e+00 : f32
    %broadcast_in_dim3A_212 = vector.broadcast %broadcast_in_dim3A_211 : f32 to vector<16xf32>
    %swap3A_213 = arith.constant 1 : i32
    %swap3A_214 = arith.index_cast %swap3A_213 : i32 to index
    %swap3A_215 = arith.constant 96 : index
    %swap3A_216 = tpu.vector_load %arg9[%swap3A_214, %swap3A_215] {strides = array<i32>} : memref<8x128xf32, #tpu.memory_space<vmem>>, vector<1x16xf32>,
    %swap3A_217 = vector.shape_cast %swap3A_216 : vector<1x16xf32> to vector<16xf32>
    %swap3A_218 = vector.shape_cast %broadcast_in_dim3A_212 : vector<16xf32> to vector<1x16xf32>
    tpu.vector_store %arg9[%swap3A_214, %swap3A_215], %swap3A_218 {strides = array<i32>} : memref<8x128xf32, #tpu.memory_space<vmem>>, vector<1x16xf32>,
    %broadcast_in_dim3A_219 = arith.constant 0.000000e+00 : f32
    %broadcast_in_dim3A_220 = vector.broadcast %broadcast_in_dim3A_219 : f32 to vector<16xf32>
    %swap3A_221 = arith.constant 1 : i32
    %swap3A_222 = arith.index_cast %swap3A_221 : i32 to index
    %swap3A_223 = arith.constant 112 : index
    %swap3A_224 = tpu.vector_load %arg9[%swap3A_222, %swap3A_223] {strides = array<i32>} : memref<8x128xf32, #tpu.memory_space<vmem>>, vector<1x16xf32>,
    %swap3A_225 = vector.shape_cast %swap3A_224 : vector<1x16xf32> to vector<16xf32>
    %swap3A_226 = vector.shape_cast %broadcast_in_dim3A_220 : vector<16xf32> to vector<1x16xf32>
    tpu.vector_store %arg9[%swap3A_222, %swap3A_223], %swap3A_226 {strides = array<i32>} : memref<8x128xf32, #tpu.memory_space<vmem>>, vector<1x16xf32>,
    %broadcast_in_dim3A_227 = arith.constant 0.000000e+00 : f32
    %broadcast_in_dim3A_228 = vector.broadcast %broadcast_in_dim3A_227 : f32 to vector<16xf32>
    %swap3A_229 = arith.constant 2 : i32
    %swap3A_230 = arith.index_cast %swap3A_229 : i32 to index
    %swap3A_231 = arith.constant 0 : index
    %swap3A_232 = tpu.vector_load %arg9[%swap3A_230, %swap3A_231] {strides = array<i32>} : memref<8x128xf32, #tpu.memory_space<vmem>>, vector<1x16xf32>,
    %swap3A_233 = vector.shape_cast %swap3A_232 : vector<1x16xf32> to vector<16xf32>
    %swap3A_234 = vector.shape_cast %broadcast_in_dim3A_228 : vector<16xf32> to vector<1x16xf32>
    tpu.vector_store %arg9[%swap3A_230, %swap3A_231], %swap3A_234 {strides = array<i32>} : memref<8x128xf32, #tpu.memory_space<vmem>>, vector<1x16xf32>,
    %broadcast_in_dim3A_235 = arith.constant 0.000000e+00 : f32
    %broadcast_in_dim3A_236 = vector.broadcast %broadcast_in_dim3A_235 : f32 to vector<16xf32>
    %swap3A_237 = arith.constant 2 : i32
    %swap3A_238 = arith.index_cast %swap3A_237 : i32 to index
    %swap3A_239 = arith.constant 16 : index
    %swap3A_240 = tpu.vector_load %arg9[%swap3A_238, %swap3A_239] {strides = array<i32>} : memref<8x128xf32, #tpu.memory_space<vmem>>, vector<1x16xf32>,
    %swap3A_241 = vector.shape_cast %swap3A_240 : vector<1x16xf32> to vector<16xf32>
    %swap3A_242 = vector.shape_cast %broadcast_in_dim3A_236 : vector<16xf32> to vector<1x16xf32>
    tpu.vector_store %arg9[%swap3A_238, %swap3A_239], %swap3A_242 {strides = array<i32>} : memref<8x128xf32, #tpu.memory_space<vmem>>, vector<1x16xf32>,
    %broadcast_in_dim3A_243 = arith.constant 0.000000e+00 : f32
    %broadcast_in_dim3A_244 = vector.broadcast %broadcast_in_dim3A_243 : f32 to vector<16xf32>
    %swap3A_245 = arith.constant 2 : i32
    %swap3A_246 = arith.index_cast %swap3A_245 : i32 to index
    %swap3A_247 = arith.constant 32 : index
    %swap3A_248 = tpu.vector_load %arg9[%swap3A_246, %swap3A_247] {strides = array<i32>} : memref<8x128xf32, #tpu.memory_space<vmem>>, vector<1x16xf32>,
    %swap3A_249 = vector.shape_cast %swap3A_248 : vector<1x16xf32> to vector<16xf32>
    %swap3A_250 = vector.shape_cast %broadcast_in_dim3A_244 : vector<16xf32> to vector<1x16xf32>
    tpu.vector_store %arg9[%swap3A_246, %swap3A_247], %swap3A_250 {strides = array<i32>} : memref<8x128xf32, #tpu.memory_space<vmem>>, vector<1x16xf32>,
    %broadcast_in_dim3A_251 = arith.constant 0.000000e+00 : f32
    %broadcast_in_dim3A_252 = vector.broadcast %broadcast_in_dim3A_251 : f32 to vector<16xf32>
    %swap3A_253 = arith.constant 2 : i32
    %swap3A_254 = arith.index_cast %swap3A_253 : i32 to index
    %swap3A_255 = arith.constant 48 : index
    %swap3A_256 = tpu.vector_load %arg9[%swap3A_254, %swap3A_255] {strides = array<i32>} : memref<8x128xf32, #tpu.memory_space<vmem>>, vector<1x16xf32>,
    %swap3A_257 = vector.shape_cast %swap3A_256 : vector<1x16xf32> to vector<16xf32>
    %swap3A_258 = vector.shape_cast %broadcast_in_dim3A_252 : vector<16xf32> to vector<1x16xf32>
    tpu.vector_store %arg9[%swap3A_254, %swap3A_255], %swap3A_258 {strides = array<i32>} : memref<8x128xf32, #tpu.memory_space<vmem>>, vector<1x16xf32>,
    %broadcast_in_dim3A_259 = arith.constant 0.000000e+00 : f32
    %broadcast_in_dim3A_260 = vector.broadcast %broadcast_in_dim3A_259 : f32 to vector<16xf32>
    %swap3A_261 = arith.constant 2 : i32
    %swap3A_262 = arith.index_cast %swap3A_261 : i32 to index
    %swap3A_263 = arith.constant 64 : index
    %swap3A_264 = tpu.vector_load %arg9[%swap3A_262, %swap3A_263] {strides = array<i32>} : memref<8x128xf32, #tpu.memory_space<vmem>>, vector<1x16xf32>,
    %swap3A_265 = vector.shape_cast %swap3A_264 : vector<1x16xf32> to vector<16xf32>
    %swap3A_266 = vector.shape_cast %broadcast_in_dim3A_260 : vector<16xf32> to vector<1x16xf32>
    tpu.vector_store %arg9[%swap3A_262, %swap3A_263], %swap3A_266 {strides = array<i32>} : memref<8x128xf32, #tpu.memory_space<vmem>>, vector<1x16xf32>,
    %broadcast_in_dim3A_267 = arith.constant 0.000000e+00 : f32
    %broadcast_in_dim3A_268 = vector.broadcast %broadcast_in_dim3A_267 : f32 to vector<16xf32>
    %swap3A_269 = arith.constant 2 : i32
    %swap3A_270 = arith.index_cast %swap3A_269 : i32 to index
    %swap3A_271 = arith.constant 80 : index
    %swap3A_272 = tpu.vector_load %arg9[%swap3A_270, %swap3A_271] {strides = array<i32>} : memref<8x128xf32, #tpu.memory_space<vmem>>, vector<1x16xf32>,
    %swap3A_273 = vector.shape_cast %swap3A_272 : vector<1x16xf32> to vector<16xf32>
    %swap3A_274 = vector.shape_cast %broadcast_in_dim3A_268 : vector<16xf32> to vector<1x16xf32>
    tpu.vector_store %arg9[%swap3A_270, %swap3A_271], %swap3A_274 {strides = array<i32>} : memref<8x128xf32, #tpu.memory_space<vmem>>, vector<1x16xf32>,
    %broadcast_in_dim3A_275 = arith.constant 0.000000e+00 : f32
    %broadcast_in_dim3A_276 = vector.broadcast %broadcast_in_dim3A_275 : f32 to vector<16xf32>
    %swap3A_277 = arith.constant 2 : i32
    %swap3A_278 = arith.index_cast %swap3A_277 : i32 to index
    %swap3A_279 = arith.constant 96 : index
    %swap3A_280 = tpu.vector_load %arg9[%swap3A_278, %swap3A_279] {strides = array<i32>} : memref<8x128xf32, #tpu.memory_space<vmem>>, vector<1x16xf32>,
    %swap3A_281 = vector.shape_cast %swap3A_280 : vector<1x16xf32> to vector<16xf32>
    %swap3A_282 = vector.shape_cast %broadcast_in_dim3A_276 : vector<16xf32> to vector<1x16xf32>
    tpu.vector_store %arg9[%swap3A_278, %swap3A_279], %swap3A_282 {strides = array<i32>} : memref<8x128xf32, #tpu.memory_space<vmem>>, vector<1x16xf32>,
    %broadcast_in_dim3A_283 = arith.constant 0.000000e+00 : f32
    %broadcast_in_dim3A_284 = vector.broadcast %broadcast_in_dim3A_283 : f32 to vector<16xf32>
    %swap3A_285 = arith.constant 2 : i32
    %swap3A_286 = arith.index_cast %swap3A_285 : i32 to index
    %swap3A_287 = arith.constant 112 : index
    %swap3A_288 = tpu.vector_load %arg9[%swap3A_286, %swap3A_287] {strides = array<i32>} : memref<8x128xf32, #tpu.memory_space<vmem>>, vector<1x16xf32>,
    %swap3A_289 = vector.shape_cast %swap3A_288 : vector<1x16xf32> to vector<16xf32>
    %swap3A_290 = vector.shape_cast %broadcast_in_dim3A_284 : vector<16xf32> to vector<1x16xf32>
    tpu.vector_store %arg9[%swap3A_286, %swap3A_287], %swap3A_290 {strides = array<i32>} : memref<8x128xf32, #tpu.memory_space<vmem>>, vector<1x16xf32>,
    %broadcast_in_dim3A_291 = arith.constant 0.000000e+00 : f32
    %broadcast_in_dim3A_292 = vector.broadcast %broadcast_in_dim3A_291 : f32 to vector<16xf32>
    %swap3A_293 = arith.constant 3 : i32
    %swap3A_294 = arith.index_cast %swap3A_293 : i32 to index
    %swap3A_295 = arith.constant 0 : index
    %swap3A_296 = tpu.vector_load %arg9[%swap3A_294, %swap3A_295] {strides = array<i32>} : memref<8x128xf32, #tpu.memory_space<vmem>>, vector<1x16xf32>,
    %swap3A_297 = vector.shape_cast %swap3A_296 : vector<1x16xf32> to vector<16xf32>
    %swap3A_298 = vector.shape_cast %broadcast_in_dim3A_292 : vector<16xf32> to vector<1x16xf32>
    tpu.vector_store %arg9[%swap3A_294, %swap3A_295], %swap3A_298 {strides = array<i32>} : memref<8x128xf32, #tpu.memory_space<vmem>>, vector<1x16xf32>,
    %broadcast_in_dim3A_299 = arith.constant 0.000000e+00 : f32
    %broadcast_in_dim3A_300 = vector.broadcast %broadcast_in_dim3A_299 : f32 to vector<16xf32>
    %swap3A_301 = arith.constant 3 : i32
    %swap3A_302 = arith.index_cast %swap3A_301 : i32 to index
    %swap3A_303 = arith.constant 16 : index
    %swap3A_304 = tpu.vector_load %arg9[%swap3A_302, %swap3A_303] {strides = array<i32>} : memref<8x128xf32, #tpu.memory_space<vmem>>, vector<1x16xf32>,
    %swap3A_305 = vector.shape_cast %swap3A_304 : vector<1x16xf32> to vector<16xf32>
    %swap3A_306 = vector.shape_cast %broadcast_in_dim3A_300 : vector<16xf32> to vector<1x16xf32>
    tpu.vector_store %arg9[%swap3A_302, %swap3A_303], %swap3A_306 {strides = array<i32>} : memref<8x128xf32, #tpu.memory_space<vmem>>, vector<1x16xf32>,
    %broadcast_in_dim3A_307 = arith.constant 0.000000e+00 : f32
    %broadcast_in_dim3A_308 = vector.broadcast %broadcast_in_dim3A_307 : f32 to vector<16xf32>
    %swap3A_309 = arith.constant 3 : i32
    %swap3A_310 = arith.index_cast %swap3A_309 : i32 to index
    %swap3A_311 = arith.constant 32 : index
    %swap3A_312 = tpu.vector_load %arg9[%swap3A_310, %swap3A_311] {strides = array<i32>} : memref<8x128xf32, #tpu.memory_space<vmem>>, vector<1x16xf32>,
    %swap3A_313 = vector.shape_cast %swap3A_312 : vector<1x16xf32> to vector<16xf32>
    %swap3A_314 = vector.shape_cast %broadcast_in_dim3A_308 : vector<16xf32> to vector<1x16xf32>
    tpu.vector_store %arg9[%swap3A_310, %swap3A_311], %swap3A_314 {strides = array<i32>} : memref<8x128xf32, #tpu.memory_space<vmem>>, vector<1x16xf32>,
    %broadcast_in_dim3A_315 = arith.constant 0.000000e+00 : f32
    %broadcast_in_dim3A_316 = vector.broadcast %broadcast_in_dim3A_315 : f32 to vector<16xf32>
    %swap3A_317 = arith.constant 3 : i32
    %swap3A_318 = arith.index_cast %swap3A_317 : i32 to index
    %swap3A_319 = arith.constant 48 : index
    %swap3A_320 = tpu.vector_load %arg9[%swap3A_318, %swap3A_319] {strides = array<i32>} : memref<8x128xf32, #tpu.memory_space<vmem>>, vector<1x16xf32>,
    %swap3A_321 = vector.shape_cast %swap3A_320 : vector<1x16xf32> to vector<16xf32>
    %swap3A_322 = vector.shape_cast %broadcast_in_dim3A_316 : vector<16xf32> to vector<1x16xf32>
    tpu.vector_store %arg9[%swap3A_318, %swap3A_319], %swap3A_322 {strides = array<i32>} : memref<8x128xf32, #tpu.memory_space<vmem>>, vector<1x16xf32>,
    %broadcast_in_dim3A_323 = arith.constant 0.000000e+00 : f32
    %broadcast_in_dim3A_324 = vector.broadcast %broadcast_in_dim3A_323 : f32 to vector<16xf32>
    %swap3A_325 = arith.constant 3 : i32
    %swap3A_326 = arith.index_cast %swap3A_325 : i32 to index
    %swap3A_327 = arith.constant 64 : index
    %swap3A_328 = tpu.vector_load %arg9[%swap3A_326, %swap3A_327] {strides = array<i32>} : memref<8x128xf32, #tpu.memory_space<vmem>>, vector<1x16xf32>,
    %swap3A_329 = vector.shape_cast %swap3A_328 : vector<1x16xf32> to vector<16xf32>
    %swap3A_330 = vector.shape_cast %broadcast_in_dim3A_324 : vector<16xf32> to vector<1x16xf32>
    tpu.vector_store %arg9[%swap3A_326, %swap3A_327], %swap3A_330 {strides = array<i32>} : memref<8x128xf32, #tpu.memory_space<vmem>>, vector<1x16xf32>,
    %broadcast_in_dim3A_331 = arith.constant 0.000000e+00 : f32
    %broadcast_in_dim3A_332 = vector.broadcast %broadcast_in_dim3A_331 : f32 to vector<16xf32>
    %swap3A_333 = arith.constant 3 : i32
    %swap3A_334 = arith.index_cast %swap3A_333 : i32 to index
    %swap3A_335 = arith.constant 80 : index
    %swap3A_336 = tpu.vector_load %arg9[%swap3A_334, %swap3A_335] {strides = array<i32>} : memref<8x128xf32, #tpu.memory_space<vmem>>, vector<1x16xf32>,
    %swap3A_337 = vector.shape_cast %swap3A_336 : vector<1x16xf32> to vector<16xf32>
    %swap3A_338 = vector.shape_cast %broadcast_in_dim3A_332 : vector<16xf32> to vector<1x16xf32>
    tpu.vector_store %arg9[%swap3A_334, %swap3A_335], %swap3A_338 {strides = array<i32>} : memref<8x128xf32, #tpu.memory_space<vmem>>, vector<1x16xf32>,
    %broadcast_in_dim3A_339 = arith.constant 0.000000e+00 : f32
    %broadcast_in_dim3A_340 = vector.broadcast %broadcast_in_dim3A_339 : f32 to vector<16xf32>
    %swap3A_341 = arith.constant 3 : i32
    %swap3A_342 = arith.index_cast %swap3A_341 : i32 to index
    %swap3A_343 = arith.constant 96 : index
    %swap3A_344 = tpu.vector_load %arg9[%swap3A_342, %swap3A_343] {strides = array<i32>} : memref<8x128xf32, #tpu.memory_space<vmem>>, vector<1x16xf32>,
    %swap3A_345 = vector.shape_cast %swap3A_344 : vector<1x16xf32> to vector<16xf32>
    %swap3A_346 = vector.shape_cast %broadcast_in_dim3A_340 : vector<16xf32> to vector<1x16xf32>
    tpu.vector_store %arg9[%swap3A_342, %swap3A_343], %swap3A_346 {strides = array<i32>} : memref<8x128xf32, #tpu.memory_space<vmem>>, vector<1x16xf32>,
    %broadcast_in_dim3A_347 = arith.constant 0.000000e+00 : f32
    %broadcast_in_dim3A_348 = vector.broadcast %broadcast_in_dim3A_347 : f32 to vector<16xf32>
    %swap3A_349 = arith.constant 3 : i32
    %swap3A_350 = arith.index_cast %swap3A_349 : i32 to index
    %swap3A_351 = arith.constant 112 : index
    %swap3A_352 = tpu.vector_load %arg9[%swap3A_350, %swap3A_351] {strides = array<i32>} : memref<8x128xf32, #tpu.memory_space<vmem>>, vector<1x16xf32>,
    %swap3A_353 = vector.shape_cast %swap3A_352 : vector<1x16xf32> to vector<16xf32>
    %swap3A_354 = vector.shape_cast %broadcast_in_dim3A_348 : vector<16xf32> to vector<1x16xf32>
    tpu.vector_store %arg9[%swap3A_350, %swap3A_351], %swap3A_354 {strides = array<i32>} : memref<8x128xf32, #tpu.memory_space<vmem>>, vector<1x16xf32>,
    %broadcast_in_dim3A_355 = arith.constant 0.000000e+00 : f32
    %broadcast_in_dim3A_356 = vector.broadcast %broadcast_in_dim3A_355 : f32 to vector<16xf32>
    %swap3A_357 = arith.constant 4 : i32
    %swap3A_358 = arith.index_cast %swap3A_357 : i32 to index
    %swap3A_359 = arith.constant 0 : index
    %swap3A_360 = tpu.vector_load %arg9[%swap3A_358, %swap3A_359] {strides = array<i32>} : memref<8x128xf32, #tpu.memory_space<vmem>>, vector<1x16xf32>,
    %swap3A_361 = vector.shape_cast %swap3A_360 : vector<1x16xf32> to vector<16xf32>
    %swap3A_362 = vector.shape_cast %broadcast_in_dim3A_356 : vector<16xf32> to vector<1x16xf32>
    tpu.vector_store %arg9[%swap3A_358, %swap3A_359], %swap3A_362 {strides = array<i32>} : memref<8x128xf32, #tpu.memory_space<vmem>>, vector<1x16xf32>,
    %broadcast_in_dim3A_363 = arith.constant 0.000000e+00 : f32
    %broadcast_in_dim3A_364 = vector.broadcast %broadcast_in_dim3A_363 : f32 to vector<16xf32>
    %swap3A_365 = arith.constant 4 : i32
    %swap3A_366 = arith.index_cast %swap3A_365 : i32 to index
    %swap3A_367 = arith.constant 16 : index
    %swap3A_368 = tpu.vector_load %arg9[%swap3A_366, %swap3A_367] {strides = array<i32>} : memref<8x128xf32, #tpu.memory_space<vmem>>, vector<1x16xf32>,
    %swap3A_369 = vector.shape_cast %swap3A_368 : vector<1x16xf32> to vector<16xf32>
    %swap3A_370 = vector.shape_cast %broadcast_in_dim3A_364 : vector<16xf32> to vector<1x16xf32>
    tpu.vector_store %arg9[%swap3A_366, %swap3A_367], %swap3A_370 {strides = array<i32>} : memref<8x128xf32, #tpu.memory_space<vmem>>, vector<1x16xf32>,
    %broadcast_in_dim3A_371 = arith.constant 0.000000e+00 : f32
    %broadcast_in_dim3A_372 = vector.broadcast %broadcast_in_dim3A_371 : f32 to vector<16xf32>
    %swap3A_373 = arith.constant 4 : i32
    %swap3A_374 = arith.index_cast %swap3A_373 : i32 to index
    %swap3A_375 = arith.constant 32 : index
    %swap3A_376 = tpu.vector_load %arg9[%swap3A_374, %swap3A_375] {strides = array<i32>} : memref<8x128xf32, #tpu.memory_space<vmem>>, vector<1x16xf32>,
    %swap3A_377 = vector.shape_cast %swap3A_376 : vector<1x16xf32> to vector<16xf32>
    %swap3A_378 = vector.shape_cast %broadcast_in_dim3A_372 : vector<16xf32> to vector<1x16xf32>
    tpu.vector_store %arg9[%swap3A_374, %swap3A_375], %swap3A_378 {strides = array<i32>} : memref<8x128xf32, #tpu.memory_space<vmem>>, vector<1x16xf32>,
    %broadcast_in_dim3A_379 = arith.constant 0.000000e+00 : f32
    %broadcast_in_dim3A_380 = vector.broadcast %broadcast_in_dim3A_379 : f32 to vector<16xf32>
    %swap3A_381 = arith.constant 4 : i32
    %swap3A_382 = arith.index_cast %swap3A_381 : i32 to index
    %swap3A_383 = arith.constant 48 : index
    %swap3A_384 = tpu.vector_load %arg9[%swap3A_382, %swap3A_383] {strides = array<i32>} : memref<8x128xf32, #tpu.memory_space<vmem>>, vector<1x16xf32>,
    %swap3A_385 = vector.shape_cast %swap3A_384 : vector<1x16xf32> to vector<16xf32>
    %swap3A_386 = vector.shape_cast %broadcast_in_dim3A_380 : vector<16xf32> to vector<1x16xf32>
    tpu.vector_store %arg9[%swap3A_382, %swap3A_383], %swap3A_386 {strides = array<i32>} : memref<8x128xf32, #tpu.memory_space<vmem>>, vector<1x16xf32>,
    %broadcast_in_dim3A_387 = arith.constant 0.000000e+00 : f32
    %broadcast_in_dim3A_388 = vector.broadcast %broadcast_in_dim3A_387 : f32 to vector<16xf32>
    %swap3A_389 = arith.constant 4 : i32
    %swap3A_390 = arith.index_cast %swap3A_389 : i32 to index
    %swap3A_391 = arith.constant 64 : index
    %swap3A_392 = tpu.vector_load %arg9[%swap3A_390, %swap3A_391] {strides = array<i32>} : memref<8x128xf32, #tpu.memory_space<vmem>>, vector<1x16xf32>,
    %swap3A_393 = vector.shape_cast %swap3A_392 : vector<1x16xf32> to vector<16xf32>
    %swap3A_394 = vector.shape_cast %broadcast_in_dim3A_388 : vector<16xf32> to vector<1x16xf32>
    tpu.vector_store %arg9[%swap3A_390, %swap3A_391], %swap3A_394 {strides = array<i32>} : memref<8x128xf32, #tpu.memory_space<vmem>>, vector<1x16xf32>,
    %broadcast_in_dim3A_395 = arith.constant 0.000000e+00 : f32
    %broadcast_in_dim3A_396 = vector.broadcast %broadcast_in_dim3A_395 : f32 to vector<16xf32>
    %swap3A_397 = arith.constant 4 : i32
    %swap3A_398 = arith.index_cast %swap3A_397 : i32 to index
    %swap3A_399 = arith.constant 80 : index
    %swap3A_400 = tpu.vector_load %arg9[%swap3A_398, %swap3A_399] {strides = array<i32>} : memref<8x128xf32, #tpu.memory_space<vmem>>, vector<1x16xf32>,
    %swap3A_401 = vector.shape_cast %swap3A_400 : vector<1x16xf32> to vector<16xf32>
    %swap3A_402 = vector.shape_cast %broadcast_in_dim3A_396 : vector<16xf32> to vector<1x16xf32>
    tpu.vector_store %arg9[%swap3A_398, %swap3A_399], %swap3A_402 {strides = array<i32>} : memref<8x128xf32, #tpu.memory_space<vmem>>, vector<1x16xf32>,
    %broadcast_in_dim3A_403 = arith.constant 0.000000e+00 : f32
    %broadcast_in_dim3A_404 = vector.broadcast %broadcast_in_dim3A_403 : f32 to vector<16xf32>
    %swap3A_405 = arith.constant 4 : i32
    %swap3A_406 = arith.index_cast %swap3A_405 : i32 to index
    %swap3A_407 = arith.constant 96 : index
    %swap3A_408 = tpu.vector_load %arg9[%swap3A_406, %swap3A_407] {strides = array<i32>} : memref<8x128xf32, #tpu.memory_space<vmem>>, vector<1x16xf32>,
    %swap3A_409 = vector.shape_cast %swap3A_408 : vector<1x16xf32> to vector<16xf32>
    %swap3A_410 = vector.shape_cast %broadcast_in_dim3A_404 : vector<16xf32> to vector<1x16xf32>
    tpu.vector_store %arg9[%swap3A_406, %swap3A_407], %swap3A_410 {strides = array<i32>} : memref<8x128xf32, #tpu.memory_space<vmem>>, vector<1x16xf32>,
    %broadcast_in_dim3A_411 = arith.constant 0.000000e+00 : f32
    %broadcast_in_dim3A_412 = vector.broadcast %broadcast_in_dim3A_411 : f32 to vector<16xf32>
    %swap3A_413 = arith.constant 4 : i32
    %swap3A_414 = arith.index_cast %swap3A_413 : i32 to index
    %swap3A_415 = arith.constant 112 : index
    %swap3A_416 = tpu.vector_load %arg9[%swap3A_414, %swap3A_415] {strides = array<i32>} : memref<8x128xf32, #tpu.memory_space<vmem>>, vector<1x16xf32>,
    %swap3A_417 = vector.shape_cast %swap3A_416 : vector<1x16xf32> to vector<16xf32>
    %swap3A_418 = vector.shape_cast %broadcast_in_dim3A_412 : vector<16xf32> to vector<1x16xf32>
    tpu.vector_store %arg9[%swap3A_414, %swap3A_415], %swap3A_418 {strides = array<i32>} : memref<8x128xf32, #tpu.memory_space<vmem>>, vector<1x16xf32>,
    %broadcast_in_dim3A_419 = arith.constant 0.000000e+00 : f32
    %broadcast_in_dim3A_420 = vector.broadcast %broadcast_in_dim3A_419 : f32 to vector<16xf32>
    %swap3A_421 = arith.constant 5 : i32
    %swap3A_422 = arith.index_cast %swap3A_421 : i32 to index
    %swap3A_423 = arith.constant 0 : index
    %swap3A_424 = tpu.vector_load %arg9[%swap3A_422, %swap3A_423] {strides = array<i32>} : memref<8x128xf32, #tpu.memory_space<vmem>>, vector<1x16xf32>,
    %swap3A_425 = vector.shape_cast %swap3A_424 : vector<1x16xf32> to vector<16xf32>
    %swap3A_426 = vector.shape_cast %broadcast_in_dim3A_420 : vector<16xf32> to vector<1x16xf32>
    tpu.vector_store %arg9[%swap3A_422, %swap3A_423], %swap3A_426 {strides = array<i32>} : memref<8x128xf32, #tpu.memory_space<vmem>>, vector<1x16xf32>,
    %broadcast_in_dim3A_427 = arith.constant 0.000000e+00 : f32
    %broadcast_in_dim3A_428 = vector.broadcast %broadcast_in_dim3A_427 : f32 to vector<16xf32>
    %swap3A_429 = arith.constant 5 : i32
    %swap3A_430 = arith.index_cast %swap3A_429 : i32 to index
    %swap3A_431 = arith.constant 16 : index
    %swap3A_432 = tpu.vector_load %arg9[%swap3A_430, %swap3A_431] {strides = array<i32>} : memref<8x128xf32, #tpu.memory_space<vmem>>, vector<1x16xf32>,
    %swap3A_433 = vector.shape_cast %swap3A_432 : vector<1x16xf32> to vector<16xf32>
    %swap3A_434 = vector.shape_cast %broadcast_in_dim3A_428 : vector<16xf32> to vector<1x16xf32>
    tpu.vector_store %arg9[%swap3A_430, %swap3A_431], %swap3A_434 {strides = array<i32>} : memref<8x128xf32, #tpu.memory_space<vmem>>, vector<1x16xf32>,
    %broadcast_in_dim3A_435 = arith.constant 0.000000e+00 : f32
    %broadcast_in_dim3A_436 = vector.broadcast %broadcast_in_dim3A_435 : f32 to vector<16xf32>
    %swap3A_437 = arith.constant 5 : i32
    %swap3A_438 = arith.index_cast %swap3A_437 : i32 to index
    %swap3A_439 = arith.constant 32 : index
    %swap3A_440 = tpu.vector_load %arg9[%swap3A_438, %swap3A_439] {strides = array<i32>} : memref<8x128xf32, #tpu.memory_space<vmem>>, vector<1x16xf32>,
    %swap3A_441 = vector.shape_cast %swap3A_440 : vector<1x16xf32> to vector<16xf32>
    %swap3A_442 = vector.shape_cast %broadcast_in_dim3A_436 : vector<16xf32> to vector<1x16xf32>
    tpu.vector_store %arg9[%swap3A_438, %swap3A_439], %swap3A_442 {strides = array<i32>} : memref<8x128xf32, #tpu.memory_space<vmem>>, vector<1x16xf32>,
    %broadcast_in_dim3A_443 = arith.constant 0.000000e+00 : f32
    %broadcast_in_dim3A_444 = vector.broadcast %broadcast_in_dim3A_443 : f32 to vector<16xf32>
    %swap3A_445 = arith.constant 5 : i32
    %swap3A_446 = arith.index_cast %swap3A_445 : i32 to index
    %swap3A_447 = arith.constant 48 : index
    %swap3A_448 = tpu.vector_load %arg9[%swap3A_446, %swap3A_447] {strides = array<i32>} : memref<8x128xf32, #tpu.memory_space<vmem>>, vector<1x16xf32>,
    %swap3A_449 = vector.shape_cast %swap3A_448 : vector<1x16xf32> to vector<16xf32>
    %swap3A_450 = vector.shape_cast %broadcast_in_dim3A_444 : vector<16xf32> to vector<1x16xf32>
    tpu.vector_store %arg9[%swap3A_446, %swap3A_447], %swap3A_450 {strides = array<i32>} : memref<8x128xf32, #tpu.memory_space<vmem>>, vector<1x16xf32>,
    %broadcast_in_dim3A_451 = arith.constant 0.000000e+00 : f32
    %broadcast_in_dim3A_452 = vector.broadcast %broadcast_in_dim3A_451 : f32 to vector<16xf32>
    %swap3A_453 = arith.constant 5 : i32
    %swap3A_454 = arith.index_cast %swap3A_453 : i32 to index
    %swap3A_455 = arith.constant 64 : index
    %swap3A_456 = tpu.vector_load %arg9[%swap3A_454, %swap3A_455] {strides = array<i32>} : memref<8x128xf32, #tpu.memory_space<vmem>>, vector<1x16xf32>,
    %swap3A_457 = vector.shape_cast %swap3A_456 : vector<1x16xf32> to vector<16xf32>
    %swap3A_458 = vector.shape_cast %broadcast_in_dim3A_452 : vector<16xf32> to vector<1x16xf32>
    tpu.vector_store %arg9[%swap3A_454, %swap3A_455], %swap3A_458 {strides = array<i32>} : memref<8x128xf32, #tpu.memory_space<vmem>>, vector<1x16xf32>,
    %broadcast_in_dim3A_459 = arith.constant 0.000000e+00 : f32
    %broadcast_in_dim3A_460 = vector.broadcast %broadcast_in_dim3A_459 : f32 to vector<16xf32>
    %swap3A_461 = arith.constant 5 : i32
    %swap3A_462 = arith.index_cast %swap3A_461 : i32 to index
    %swap3A_463 = arith.constant 80 : index
    %swap3A_464 = tpu.vector_load %arg9[%swap3A_462, %swap3A_463] {strides = array<i32>} : memref<8x128xf32, #tpu.memory_space<vmem>>, vector<1x16xf32>,
    %swap3A_465 = vector.shape_cast %swap3A_464 : vector<1x16xf32> to vector<16xf32>
    %swap3A_466 = vector.shape_cast %broadcast_in_dim3A_460 : vector<16xf32> to vector<1x16xf32>
    tpu.vector_store %arg9[%swap3A_462, %swap3A_463], %swap3A_466 {strides = array<i32>} : memref<8x128xf32, #tpu.memory_space<vmem>>, vector<1x16xf32>,
    %broadcast_in_dim3A_467 = arith.constant 0.000000e+00 : f32
    %broadcast_in_dim3A_468 = vector.broadcast %broadcast_in_dim3A_467 : f32 to vector<16xf32>
    %swap3A_469 = arith.constant 5 : i32
    %swap3A_470 = arith.index_cast %swap3A_469 : i32 to index
    %swap3A_471 = arith.constant 96 : index
    %swap3A_472 = tpu.vector_load %arg9[%swap3A_470, %swap3A_471] {strides = array<i32>} : memref<8x128xf32, #tpu.memory_space<vmem>>, vector<1x16xf32>,
    %swap3A_473 = vector.shape_cast %swap3A_472 : vector<1x16xf32> to vector<16xf32>
    %swap3A_474 = vector.shape_cast %broadcast_in_dim3A_468 : vector<16xf32> to vector<1x16xf32>
    tpu.vector_store %arg9[%swap3A_470, %swap3A_471], %swap3A_474 {strides = array<i32>} : memref<8x128xf32, #tpu.memory_space<vmem>>, vector<1x16xf32>,
    %broadcast_in_dim3A_475 = arith.constant 0.000000e+00 : f32
    %broadcast_in_dim3A_476 = vector.broadcast %broadcast_in_dim3A_475 : f32 to vector<16xf32>
    %swap3A_477 = arith.constant 5 : i32
    %swap3A_478 = arith.index_cast %swap3A_477 : i32 to index
    %swap3A_479 = arith.constant 112 : index
    %swap3A_480 = tpu.vector_load %arg9[%swap3A_478, %swap3A_479] {strides = array<i32>} : memref<8x128xf32, #tpu.memory_space<vmem>>, vector<1x16xf32>,
    %swap3A_481 = vector.shape_cast %swap3A_480 : vector<1x16xf32> to vector<16xf32>
    %swap3A_482 = vector.shape_cast %broadcast_in_dim3A_476 : vector<16xf32> to vector<1x16xf32>
    tpu.vector_store %arg9[%swap3A_478, %swap3A_479], %swap3A_482 {strides = array<i32>} : memref<8x128xf32, #tpu.memory_space<vmem>>, vector<1x16xf32>,
    %broadcast_in_dim3A_483 = arith.constant 0.000000e+00 : f32
    %broadcast_in_dim3A_484 = vector.broadcast %broadcast_in_dim3A_483 : f32 to vector<16xf32>
    %swap3A_485 = arith.constant 6 : i32
    %swap3A_486 = arith.index_cast %swap3A_485 : i32 to index
    %swap3A_487 = arith.constant 0 : index
    %swap3A_488 = tpu.vector_load %arg9[%swap3A_486, %swap3A_487] {strides = array<i32>} : memref<8x128xf32, #tpu.memory_space<vmem>>, vector<1x16xf32>,
    %swap3A_489 = vector.shape_cast %swap3A_488 : vector<1x16xf32> to vector<16xf32>
    %swap3A_490 = vector.shape_cast %broadcast_in_dim3A_484 : vector<16xf32> to vector<1x16xf32>
    tpu.vector_store %arg9[%swap3A_486, %swap3A_487], %swap3A_490 {strides = array<i32>} : memref<8x128xf32, #tpu.memory_space<vmem>>, vector<1x16xf32>,
    %broadcast_in_dim3A_491 = arith.constant 0.000000e+00 : f32
    %broadcast_in_dim3A_492 = vector.broadcast %broadcast_in_dim3A_491 : f32 to vector<16xf32>
    %swap3A_493 = arith.constant 6 : i32
    %swap3A_494 = arith.index_cast %swap3A_493 : i32 to index
    %swap3A_495 = arith.constant 16 : index
    %swap3A_496 = tpu.vector_load %arg9[%swap3A_494, %swap3A_495] {strides = array<i32>} : memref<8x128xf32, #tpu.memory_space<vmem>>, vector<1x16xf32>,
    %swap3A_497 = vector.shape_cast %swap3A_496 : vector<1x16xf32> to vector<16xf32>
    %swap3A_498 = vector.shape_cast %broadcast_in_dim3A_492 : vector<16xf32> to vector<1x16xf32>
    tpu.vector_store %arg9[%swap3A_494, %swap3A_495], %swap3A_498 {strides = array<i32>} : memref<8x128xf32, #tpu.memory_space<vmem>>, vector<1x16xf32>,
    %broadcast_in_dim3A_499 = arith.constant 0.000000e+00 : f32
    %broadcast_in_dim3A_500 = vector.broadcast %broadcast_in_dim3A_499 : f32 to vector<16xf32>
    %swap3A_501 = arith.constant 6 : i32
    %swap3A_502 = arith.index_cast %swap3A_501 : i32 to index
    %swap3A_503 = arith.constant 32 : index
    %swap3A_504 = tpu.vector_load %arg9[%swap3A_502, %swap3A_503] {strides = array<i32>} : memref<8x128xf32, #tpu.memory_space<vmem>>, vector<1x16xf32>,
    %swap3A_505 = vector.shape_cast %swap3A_504 : vector<1x16xf32> to vector<16xf32>
    %swap3A_506 = vector.shape_cast %broadcast_in_dim3A_500 : vector<16xf32> to vector<1x16xf32>
    tpu.vector_store %arg9[%swap3A_502, %swap3A_503], %swap3A_506 {strides = array<i32>} : memref<8x128xf32, #tpu.memory_space<vmem>>, vector<1x16xf32>,
    %broadcast_in_dim3A_507 = arith.constant 0.000000e+00 : f32
    %broadcast_in_dim3A_508 = vector.broadcast %broadcast_in_dim3A_507 : f32 to vector<16xf32>
    %swap3A_509 = arith.constant 6 : i32
    %swap3A_510 = arith.index_cast %swap3A_509 : i32 to index
    %swap3A_511 = arith.constant 48 : index
    %swap3A_512 = tpu.vector_load %arg9[%swap3A_510, %swap3A_511] {strides = array<i32>} : memref<8x128xf32, #tpu.memory_space<vmem>>, vector<1x16xf32>,
    %swap3A_513 = vector.shape_cast %swap3A_512 : vector<1x16xf32> to vector<16xf32>
    %swap3A_514 = vector.shape_cast %broadcast_in_dim3A_508 : vector<16xf32> to vector<1x16xf32>
    tpu.vector_store %arg9[%swap3A_510, %swap3A_511], %swap3A_514 {strides = array<i32>} : memref<8x128xf32, #tpu.memory_space<vmem>>, vector<1x16xf32>,
    %broadcast_in_dim3A_515 = arith.constant 0.000000e+00 : f32
    %broadcast_in_dim3A_516 = vector.broadcast %broadcast_in_dim3A_515 : f32 to vector<16xf32>
    %swap3A_517 = arith.constant 6 : i32
    %swap3A_518 = arith.index_cast %swap3A_517 : i32 to index
    %swap3A_519 = arith.constant 64 : index
    %swap3A_520 = tpu.vector_load %arg9[%swap3A_518, %swap3A_519] {strides = array<i32>} : memref<8x128xf32, #tpu.memory_space<vmem>>, vector<1x16xf32>,
    %swap3A_521 = vector.shape_cast %swap3A_520 : vector<1x16xf32> to vector<16xf32>
    %swap3A_522 = vector.shape_cast %broadcast_in_dim3A_516 : vector<16xf32> to vector<1x16xf32>
    tpu.vector_store %arg9[%swap3A_518, %swap3A_519], %swap3A_522 {strides = array<i32>} : memref<8x128xf32, #tpu.memory_space<vmem>>, vector<1x16xf32>,
    %broadcast_in_dim3A_523 = arith.constant 0.000000e+00 : f32
    %broadcast_in_dim3A_524 = vector.broadcast %broadcast_in_dim3A_523 : f32 to vector<16xf32>
    %swap3A_525 = arith.constant 6 : i32
    %swap3A_526 = arith.index_cast %swap3A_525 : i32 to index
    %swap3A_527 = arith.constant 80 : index
    %swap3A_528 = tpu.vector_load %arg9[%swap3A_526, %swap3A_527] {strides = array<i32>} : memref<8x128xf32, #tpu.memory_space<vmem>>, vector<1x16xf32>,
    %swap3A_529 = vector.shape_cast %swap3A_528 : vector<1x16xf32> to vector<16xf32>
    %swap3A_530 = vector.shape_cast %broadcast_in_dim3A_524 : vector<16xf32> to vector<1x16xf32>
    tpu.vector_store %arg9[%swap3A_526, %swap3A_527], %swap3A_530 {strides = array<i32>} : memref<8x128xf32, #tpu.memory_space<vmem>>, vector<1x16xf32>,
    %broadcast_in_dim3A_531 = arith.constant 0.000000e+00 : f32
    %broadcast_in_dim3A_532 = vector.broadcast %broadcast_in_dim3A_531 : f32 to vector<16xf32>
    %swap3A_533 = arith.constant 6 : i32
    %swap3A_534 = arith.index_cast %swap3A_533 : i32 to index
    %swap3A_535 = arith.constant 96 : index
    %swap3A_536 = tpu.vector_load %arg9[%swap3A_534, %swap3A_535] {strides = array<i32>} : memref<8x128xf32, #tpu.memory_space<vmem>>, vector<1x16xf32>,
    %swap3A_537 = vector.shape_cast %swap3A_536 : vector<1x16xf32> to vector<16xf32>
    %swap3A_538 = vector.shape_cast %broadcast_in_dim3A_532 : vector<16xf32> to vector<1x16xf32>
    tpu.vector_store %arg9[%swap3A_534, %swap3A_535], %swap3A_538 {strides = array<i32>} : memref<8x128xf32, #tpu.memory_space<vmem>>, vector<1x16xf32>,
    %broadcast_in_dim3A_539 = arith.constant 0.000000e+00 : f32
    %broadcast_in_dim3A_540 = vector.broadcast %broadcast_in_dim3A_539 : f32 to vector<16xf32>
    %swap3A_541 = arith.constant 6 : i32
    %swap3A_542 = arith.index_cast %swap3A_541 : i32 to index
    %swap3A_543 = arith.constant 112 : index
    %swap3A_544 = tpu.vector_load %arg9[%swap3A_542, %swap3A_543] {strides = array<i32>} : memref<8x128xf32, #tpu.memory_space<vmem>>, vector<1x16xf32>,
    %swap3A_545 = vector.shape_cast %swap3A_544 : vector<1x16xf32> to vector<16xf32>
    %swap3A_546 = vector.shape_cast %broadcast_in_dim3A_540 : vector<16xf32> to vector<1x16xf32>
    tpu.vector_store %arg9[%swap3A_542, %swap3A_543], %swap3A_546 {strides = array<i32>} : memref<8x128xf32, #tpu.memory_space<vmem>>, vector<1x16xf32>,
    %broadcast_in_dim3A_547 = arith.constant 0.000000e+00 : f32
    %broadcast_in_dim3A_548 = vector.broadcast %broadcast_in_dim3A_547 : f32 to vector<16xf32>
    %swap3A_549 = arith.constant 7 : i32
    %swap3A_550 = arith.index_cast %swap3A_549 : i32 to index
    %swap3A_551 = arith.constant 0 : index
    %swap3A_552 = tpu.vector_load %arg9[%swap3A_550, %swap3A_551] {strides = array<i32>} : memref<8x128xf32, #tpu.memory_space<vmem>>, vector<1x16xf32>,
    %swap3A_553 = vector.shape_cast %swap3A_552 : vector<1x16xf32> to vector<16xf32>
    %swap3A_554 = vector.shape_cast %broadcast_in_dim3A_548 : vector<16xf32> to vector<1x16xf32>
    tpu.vector_store %arg9[%swap3A_550, %swap3A_551], %swap3A_554 {strides = array<i32>} : memref<8x128xf32, #tpu.memory_space<vmem>>, vector<1x16xf32>,
    %broadcast_in_dim3A_555 = arith.constant 0.000000e+00 : f32
    %broadcast_in_dim3A_556 = vector.broadcast %broadcast_in_dim3A_555 : f32 to vector<16xf32>
    %swap3A_557 = arith.constant 7 : i32
    %swap3A_558 = arith.index_cast %swap3A_557 : i32 to index
    %swap3A_559 = arith.constant 16 : index
    %swap3A_560 = tpu.vector_load %arg9[%swap3A_558, %swap3A_559] {strides = array<i32>} : memref<8x128xf32, #tpu.memory_space<vmem>>, vector<1x16xf32>,
    %swap3A_561 = vector.shape_cast %swap3A_560 : vector<1x16xf32> to vector<16xf32>
    %swap3A_562 = vector.shape_cast %broadcast_in_dim3A_556 : vector<16xf32> to vector<1x16xf32>
    tpu.vector_store %arg9[%swap3A_558, %swap3A_559], %swap3A_562 {strides = array<i32>} : memref<8x128xf32, #tpu.memory_space<vmem>>, vector<1x16xf32>,
    %broadcast_in_dim3A_563 = arith.constant 0.000000e+00 : f32
    %broadcast_in_dim3A_564 = vector.broadcast %broadcast_in_dim3A_563 : f32 to vector<16xf32>
    %swap3A_565 = arith.constant 7 : i32
    %swap3A_566 = arith.index_cast %swap3A_565 : i32 to index
    %swap3A_567 = arith.constant 32 : index
    %swap3A_568 = tpu.vector_load %arg9[%swap3A_566, %swap3A_567] {strides = array<i32>} : memref<8x128xf32, #tpu.memory_space<vmem>>, vector<1x16xf32>,
    %swap3A_569 = vector.shape_cast %swap3A_568 : vector<1x16xf32> to vector<16xf32>
    %swap3A_570 = vector.shape_cast %broadcast_in_dim3A_564 : vector<16xf32> to vector<1x16xf32>
    tpu.vector_store %arg9[%swap3A_566, %swap3A_567], %swap3A_570 {strides = array<i32>} : memref<8x128xf32, #tpu.memory_space<vmem>>, vector<1x16xf32>,
    %broadcast_in_dim3A_571 = arith.constant 0.000000e+00 : f32
    %broadcast_in_dim3A_572 = vector.broadcast %broadcast_in_dim3A_571 : f32 to vector<16xf32>
    %swap3A_573 = arith.constant 7 : i32
    %swap3A_574 = arith.index_cast %swap3A_573 : i32 to index
    %swap3A_575 = arith.constant 48 : index
    %swap3A_576 = tpu.vector_load %arg9[%swap3A_574, %swap3A_575] {strides = array<i32>} : memref<8x128xf32, #tpu.memory_space<vmem>>, vector<1x16xf32>,
    %swap3A_577 = vector.shape_cast %swap3A_576 : vector<1x16xf32> to vector<16xf32>
    %swap3A_578 = vector.shape_cast %broadcast_in_dim3A_572 : vector<16xf32> to vector<1x16xf32>
    tpu.vector_store %arg9[%swap3A_574, %swap3A_575], %swap3A_578 {strides = array<i32>} : memref<8x128xf32, #tpu.memory_space<vmem>>, vector<1x16xf32>,
    %broadcast_in_dim3A_579 = arith.constant 0.000000e+00 : f32
    %broadcast_in_dim3A_580 = vector.broadcast %broadcast_in_dim3A_579 : f32 to vector<16xf32>
    %swap3A_581 = arith.constant 7 : i32
    %swap3A_582 = arith.index_cast %swap3A_581 : i32 to index
    %swap3A_583 = arith.constant 64 : index
    %swap3A_584 = tpu.vector_load %arg9[%swap3A_582, %swap3A_583] {strides = array<i32>} : memref<8x128xf32, #tpu.memory_space<vmem>>, vector<1x16xf32>,
    %swap3A_585 = vector.shape_cast %swap3A_584 : vector<1x16xf32> to vector<16xf32>
    %swap3A_586 = vector.shape_cast %broadcast_in_dim3A_580 : vector<16xf32> to vector<1x16xf32>
    tpu.vector_store %arg9[%swap3A_582, %swap3A_583], %swap3A_586 {strides = array<i32>} : memref<8x128xf32, #tpu.memory_space<vmem>>, vector<1x16xf32>,
    %broadcast_in_dim3A_587 = arith.constant 0.000000e+00 : f32
    %broadcast_in_dim3A_588 = vector.broadcast %broadcast_in_dim3A_587 : f32 to vector<16xf32>
    %swap3A_589 = arith.constant 7 : i32
    %swap3A_590 = arith.index_cast %swap3A_589 : i32 to index
    %swap3A_591 = arith.constant 80 : index
    %swap3A_592 = tpu.vector_load %arg9[%swap3A_590, %swap3A_591] {strides = array<i32>} : memref<8x128xf32, #tpu.memory_space<vmem>>, vector<1x16xf32>,
    %swap3A_593 = vector.shape_cast %swap3A_592 : vector<1x16xf32> to vector<16xf32>
    %swap3A_594 = vector.shape_cast %broadcast_in_dim3A_588 : vector<16xf32> to vector<1x16xf32>
    tpu.vector_store %arg9[%swap3A_590, %swap3A_591], %swap3A_594 {strides = array<i32>} : memref<8x128xf32, #tpu.memory_space<vmem>>, vector<1x16xf32>,
    %broadcast_in_dim3A_595 = arith.constant 0.000000e+00 : f32
    %broadcast_in_dim3A_596 = vector.broadcast %broadcast_in_dim3A_595 : f32 to vector<16xf32>
    %swap3A_597 = arith.constant 7 : i32
    %swap3A_598 = arith.index_cast %swap3A_597 : i32 to index
    %swap3A_599 = arith.constant 96 : index
    %swap3A_600 = tpu.vector_load %arg9[%swap3A_598, %swap3A_599] {strides = array<i32>} : memref<8x128xf32, #tpu.memory_space<vmem>>, vector<1x16xf32>,
    %swap3A_601 = vector.shape_cast %swap3A_600 : vector<1x16xf32> to vector<16xf32>
    %swap3A_602 = vector.shape_cast %broadcast_in_dim3A_596 : vector<16xf32> to vector<1x16xf32>
    tpu.vector_store %arg9[%swap3A_598, %swap3A_599], %swap3A_602 {strides = array<i32>} : memref<8x128xf32, #tpu.memory_space<vmem>>, vector<1x16xf32>,
    %broadcast_in_dim3A_603 = arith.constant 0.000000e+00 : f32
    %broadcast_in_dim3A_604 = vector.broadcast %broadcast_in_dim3A_603 : f32 to vector<16xf32>
    %swap3A_605 = arith.constant 7 : i32
    %swap3A_606 = arith.index_cast %swap3A_605 : i32 to index
    %swap3A_607 = arith.constant 112 : index
    %swap3A_608 = tpu.vector_load %arg9[%swap3A_606, %swap3A_607] {strides = array<i32>} : memref<8x128xf32, #tpu.memory_space<vmem>>, vector<1x16xf32>,
    %swap3A_609 = vector.shape_cast %swap3A_608 : vector<1x16xf32> to vector<16xf32>
    %swap3A_610 = vector.shape_cast %broadcast_in_dim3A_604 : vector<16xf32> to vector<1x16xf32>
    tpu.vector_store %arg9[%swap3A_606, %swap3A_607], %swap3A_610 {strides = array<i32>} : memref<8x128xf32, #tpu.memory_space<vmem>>, vector<1x16xf32>,
    %mul3A_611 = arith.constant 2 : i32
    %mul3A_612 = arith.muli %select_n3A_32, %mul3A_611 : i32
    %mul3A_613 = arith.constant 4 : i32
    %mul3A_614 = arith.muli %mul3A_612, %mul3A_613 : i32
    "tpu.region"() ({
      %run_scoped3A = tpu.sem_alloc : memref<!tpu.dma_semaphore, #tpu.memory_space<semaphore_mem>>
      %dma_start3A_770 = arith.constant 0 : i32
      %dma_start3A_771 = tpu.memref_slice %arg10[%select_n3A_11, %mul3A_614, %dma_start3A_770] : memref<2x64x128xf32, #tpu.memory_space<vmem_shared>> -> memref<1x8x128xf32, #tpu.memory_space<vmem_shared>>
      %dma_start3A_772 = tpu.memref_squeeze %dma_start3A_771 : memref<1x8x128xf32, #tpu.memory_space<vmem_shared>> -> memref<8x128xf32, #tpu.memory_space<vmem_shared>>
      %dma_start3A_773 = arith.constant 0 : i32
      %dma_start3A_774 = tpu.memref_slice %arg10[%select_n3A_11, %mul3A_614, %dma_start3A_773] : memref<2x64x128xf32, #tpu.memory_space<vmem_shared>> -> memref<1x8x128xf32, #tpu.memory_space<vmem_shared>>
      %dma_start3A_775 = tpu.memref_squeeze %dma_start3A_774 : memref<1x8x128xf32, #tpu.memory_space<vmem_shared>> -> memref<8x128xf32, #tpu.memory_space<vmem_shared>>
      tpu.enqueue_dma source(%arg9 : memref<8x128xf32, #tpu.memory_space<vmem>>) target(%dma_start3A_775 : memref<8x128xf32, #tpu.memory_space<vmem_shared>>) target_semaphore(%run_scoped3A : memref<!tpu.dma_semaphore, #tpu.memory_space<semaphore_mem>>)
      %dma_wait3A_776 = arith.constant 0 : i32
      %dma_wait3A_777 = tpu.memref_slice %arg10[%select_n3A_11, %mul3A_614, %dma_wait3A_776] : memref<2x64x128xf32, #tpu.memory_space<vmem_shared>> -> memref<1x8x128xf32, #tpu.memory_space<vmem_shared>>
      %dma_wait3A_778 = tpu.memref_squeeze %dma_wait3A_777 : memref<1x8x128xf32, #tpu.memory_space<vmem_shared>> -> memref<8x128xf32, #tpu.memory_space<vmem_shared>>
      %dma_wait3A_779 = arith.constant 0 : i32
      %dma_wait3A_780 = tpu.memref_slice %arg10[%select_n3A_11, %mul3A_614, %dma_wait3A_779] : memref<2x64x128xf32, #tpu.memory_space<vmem_shared>> -> memref<1x8x128xf32, #tpu.memory_space<vmem_shared>>
      %dma_wait3A_781 = tpu.memref_squeeze %dma_wait3A_780 : memref<1x8x128xf32, #tpu.memory_space<vmem_shared>> -> memref<8x128xf32, #tpu.memory_space<vmem_shared>>
      tpu.wait_dma2 semaphore(%run_scoped3A : memref<!tpu.dma_semaphore, #tpu.memory_space<semaphore_mem>>) src(%arg9 : memref<8x128xf32, #tpu.memory_space<vmem>>) dst(%dma_wait3A_781 : memref<8x128xf32, #tpu.memory_space<vmem_shared>>)
      tpu.yield
    }) : () -> ()
    %dma_wait3A = arith.constant 0 : i32
    %dma_wait3A_615 = arith.constant 0 : i32
    %dma_wait3A_616 = tpu.memref_slice %arg6[%dma_wait3A, %dma_wait3A_615] : memref<3x104xi32, #tpu.memory_space<vmem>> -> memref<1x104xi32, #tpu.memory_space<vmem>>
    %dma_wait3A_617 = tpu.memref_squeeze %dma_wait3A_616 : memref<1x104xi32, #tpu.memory_space<vmem>> -> memref<104xi32, #tpu.memory_space<vmem>>
    %dma_wait3A_618 = tpu.memref_slice %arg3[%add3A_69] : memref<10000xi32, #tpu.memory_space<hbm>> -> memref<104xi32, #tpu.memory_space<hbm>>
    %dma_wait3A_619 = arith.constant 0 : i32
    %dma_wait3A_620 = tpu.memref_slice %arg6[%dma_wait3A, %dma_wait3A_619] : memref<3x104xi32, #tpu.memory_space<vmem>> -> memref<1x104xi32, #tpu.memory_space<vmem>>
    %dma_wait3A_621 = tpu.memref_squeeze %dma_wait3A_620 : memref<1x104xi32, #tpu.memory_space<vmem>> -> memref<104xi32, #tpu.memory_space<vmem>>
    %dma_wait3A_622 = tpu.memref_slice %arg3[%add3A_69] : memref<10000xi32, #tpu.memory_space<hbm>> -> memref<104xi32, #tpu.memory_space<hbm>>
    tpu.wait_dma2 semaphore(%arg14 : memref<!tpu.dma_semaphore, #tpu.memory_space<semaphore_mem>>) src(%dma_wait3A_622 : memref<104xi32, #tpu.memory_space<hbm>>) dst(%dma_wait3A_621 : memref<104xi32, #tpu.memory_space<vmem>>)
    %dma_wait3A_623 = arith.constant 1 : i32
    %dma_wait3A_624 = arith.constant 0 : i32
    %dma_wait3A_625 = tpu.memref_slice %arg6[%dma_wait3A_623, %dma_wait3A_624] : memref<3x104xi32, #tpu.memory_space<vmem>> -> memref<1x104xi32, #tpu.memory_space<vmem>>
    %dma_wait3A_626 = tpu.memref_squeeze %dma_wait3A_625 : memref<1x104xi32, #tpu.memory_space<vmem>> -> memref<104xi32, #tpu.memory_space<vmem>>
    %dma_wait3A_627 = tpu.memref_slice %arg3[%add3A_80] : memref<10000xi32, #tpu.memory_space<hbm>> -> memref<104xi32, #tpu.memory_space<hbm>>
    %dma_wait3A_628 = arith.constant 0 : i32
    %dma_wait3A_629 = tpu.memref_slice %arg6[%dma_wait3A_623, %dma_wait3A_628] : memref<3x104xi32, #tpu.memory_space<vmem>> -> memref<1x104xi32, #tpu.memory_space<vmem>>
    %dma_wait3A_630 = tpu.memref_squeeze %dma_wait3A_629 : memref<1x104xi32, #tpu.memory_space<vmem>> -> memref<104xi32, #tpu.memory_space<vmem>>
    %dma_wait3A_631 = tpu.memref_slice %arg3[%add3A_80] : memref<10000xi32, #tpu.memory_space<hbm>> -> memref<104xi32, #tpu.memory_space<hbm>>
    tpu.wait_dma2 semaphore(%arg14 : memref<!tpu.dma_semaphore, #tpu.memory_space<semaphore_mem>>) src(%dma_wait3A_631 : memref<104xi32, #tpu.memory_space<hbm>>) dst(%dma_wait3A_630 : memref<104xi32, #tpu.memory_space<vmem>>)
    %dma_wait3A_632 = arith.constant 2 : i32
    %dma_wait3A_633 = arith.constant 0 : i32
    %dma_wait3A_634 = tpu.memref_slice %arg6[%dma_wait3A_632, %dma_wait3A_633] : memref<3x104xi32, #tpu.memory_space<vmem>> -> memref<1x104xi32, #tpu.memory_space<vmem>>
    %dma_wait3A_635 = tpu.memref_squeeze %dma_wait3A_634 : memref<1x104xi32, #tpu.memory_space<vmem>> -> memref<104xi32, #tpu.memory_space<vmem>>
    %dma_wait3A_636 = tpu.memref_slice %arg3[%add3A_91] : memref<10000xi32, #tpu.memory_space<hbm>> -> memref<104xi32, #tpu.memory_space<hbm>>
    %dma_wait3A_637 = arith.constant 0 : i32
    %dma_wait3A_638 = tpu.memref_slice %arg6[%dma_wait3A_632, %dma_wait3A_637] : memref<3x104xi32, #tpu.memory_space<vmem>> -> memref<1x104xi32, #tpu.memory_space<vmem>>
    %dma_wait3A_639 = tpu.memref_squeeze %dma_wait3A_638 : memref<1x104xi32, #tpu.memory_space<vmem>> -> memref<104xi32, #tpu.memory_space<vmem>>
    %dma_wait3A_640 = tpu.memref_slice %arg3[%add3A_91] : memref<10000xi32, #tpu.memory_space<hbm>> -> memref<104xi32, #tpu.memory_space<hbm>>
    tpu.wait_dma2 semaphore(%arg14 : memref<!tpu.dma_semaphore, #tpu.memory_space<semaphore_mem>>) src(%dma_wait3A_640 : memref<104xi32, #tpu.memory_space<hbm>>) dst(%dma_wait3A_639 : memref<104xi32, #tpu.memory_space<vmem>>)
    %barrier3A = arith.constant 0 : index
    tpu.barrier barrier_id(%barrier3A)
    %dma_wait3A_641 = arith.constant 0 : i32
    %dma_wait3A_642 = arith.constant 0 : i32
    %dma_wait3A_643 = tpu.memref_slice %arg5[%dma_wait3A_641, %dma_wait3A_642] : memref<312x128xf32, #tpu.memory_space<vmem>> -> memref<104x128xf32, #tpu.memory_space<vmem>>
    %dma_wait3A_644 = arith.constant 0 : i32
    %dma_wait3A_645 = tpu.memref_slice %arg2[%add3A_34, %dma_wait3A_644] : memref<10000x128xf32, #tpu.memory_space<hbm>> -> memref<104x128xf32, #tpu.memory_space<hbm>>
    %dma_wait3A_646 = arith.constant 0 : i32
    %dma_wait3A_647 = arith.constant 0 : i32
    %dma_wait3A_648 = tpu.memref_slice %arg5[%dma_wait3A_646, %dma_wait3A_647] : memref<312x128xf32, #tpu.memory_space<vmem>> -> memref<104x128xf32, #tpu.memory_space<vmem>>
    %dma_wait3A_649 = arith.constant 0 : i32
    %dma_wait3A_650 = tpu.memref_slice %arg2[%add3A_34, %dma_wait3A_649] : memref<10000x128xf32, #tpu.memory_space<hbm>> -> memref<104x128xf32, #tpu.memory_space<hbm>>
    tpu.wait_dma2 semaphore(%arg11 : memref<!tpu.dma_semaphore, #tpu.memory_space<semaphore_mem>>) src(%dma_wait3A_650 : memref<104x128xf32, #tpu.memory_space<hbm>>) dst(%dma_wait3A_648 : memref<104x128xf32, #tpu.memory_space<vmem>>)
    %dma_start3A_651 = arith.constant 0 : i32
    %dma_start3A_652 = arith.constant 0 : i32
    %dma_start3A_653 = arith.constant 0 : i32
    %dma_start3A_654 = tpu.memref_slice %arg5[%dma_start3A_652, %dma_start3A_653] : memref<312x128xf32, #tpu.memory_space<vmem>> -> memref<104x128xf32, #tpu.memory_space<vmem>>
    %dma_start3A_655 = arith.constant 0 : i32
    %dma_start3A_656 = tpu.memref_slice %arg6[%dma_start3A_651, %dma_start3A_655] : memref<3x104xi32, #tpu.memory_space<vmem>> -> memref<1x104xi32, #tpu.memory_space<vmem>>
    %dma_start3A_657 = tpu.memref_squeeze %dma_start3A_656 : memref<1x104xi32, #tpu.memory_space<vmem>> -> memref<104xi32, #tpu.memory_space<vmem>>
    %dma_start3A_658 = arith.constant 0 : i32
    %dma_start3A_659 = arith.constant 0 : i32
    %dma_start3A_660 = tpu.memref_slice %arg10[%select_n3A_11, %dma_start3A_658, %dma_start3A_659] : memref<2x64x128xf32, #tpu.memory_space<vmem_shared>> -> memref<1x64x128xf32, #tpu.memory_space<vmem_shared>>
    %dma_start3A_661 = tpu.memref_squeeze %dma_start3A_660 : memref<1x64x128xf32, #tpu.memory_space<vmem_shared>> -> memref<64x128xf32, #tpu.memory_space<vmem_shared>>
    %dma_start3A_662 = arith.constant 0 : i32
    %dma_start3A_663 = arith.constant 0 : i32
    %dma_start3A_664 = tpu.memref_slice %dma_start3A_661[%dma_start3A_662, %dma_start3A_663] : memref<64x128xf32, #tpu.memory_space<vmem_shared>> -> memref<64x128xf32, #tpu.memory_space<vmem_shared>>
    tpu.enqueue_indirect_dma source(%dma_start3A_654 : memref<104x128xf32, #tpu.memory_space<vmem>>) target(%dma_start3A_664 : memref<64x128xf32, #tpu.memory_space<vmem_shared>>) offsets(%dma_start3A_657 : memref<104xi32, #tpu.memory_space<vmem>>) semaphore(%arg15 : memref<!tpu.dma_semaphore, #tpu.memory_space<semaphore_mem>>) {add = true}
    %dma_wait3A_665 = arith.constant 104 : i32
    %dma_wait3A_666 = arith.constant 0 : i32
    %dma_wait3A_667 = tpu.memref_slice %arg5[%dma_wait3A_665, %dma_wait3A_666] : memref<312x128xf32, #tpu.memory_space<vmem>> -> memref<104x128xf32, #tpu.memory_space<vmem>>
    %dma_wait3A_668 = arith.constant 0 : i32
    %dma_wait3A_669 = tpu.memref_slice %arg2[%add3A_45, %dma_wait3A_668] : memref<10000x128xf32, #tpu.memory_space<hbm>> -> memref<104x128xf32, #tpu.memory_space<hbm>>
    %dma_wait3A_670 = arith.constant 104 : i32
    %dma_wait3A_671 = arith.constant 0 : i32
    %dma_wait3A_672 = tpu.memref_slice %arg5[%dma_wait3A_670, %dma_wait3A_671] : memref<312x128xf32, #tpu.memory_space<vmem>> -> memref<104x128xf32, #tpu.memory_space<vmem>>
    %dma_wait3A_673 = arith.constant 0 : i32
    %dma_wait3A_674 = tpu.memref_slice %arg2[%add3A_45, %dma_wait3A_673] : memref<10000x128xf32, #tpu.memory_space<hbm>> -> memref<104x128xf32, #tpu.memory_space<hbm>>
    tpu.wait_dma2 semaphore(%arg12 : memref<!tpu.dma_semaphore, #tpu.memory_space<semaphore_mem>>) src(%dma_wait3A_674 : memref<104x128xf32, #tpu.memory_space<hbm>>) dst(%dma_wait3A_672 : memref<104x128xf32, #tpu.memory_space<vmem>>)
    %dma_start3A_675 = arith.constant 1 : i32
    %dma_start3A_676 = arith.constant 104 : i32
    %dma_start3A_677 = arith.constant 0 : i32
    %dma_start3A_678 = tpu.memref_slice %arg5[%dma_start3A_676, %dma_start3A_677] : memref<312x128xf32, #tpu.memory_space<vmem>> -> memref<104x128xf32, #tpu.memory_space<vmem>>
    %dma_start3A_679 = arith.constant 0 : i32
    %dma_start3A_680 = tpu.memref_slice %arg6[%dma_start3A_675, %dma_start3A_679] : memref<3x104xi32, #tpu.memory_space<vmem>> -> memref<1x104xi32, #tpu.memory_space<vmem>>
    %dma_start3A_681 = tpu.memref_squeeze %dma_start3A_680 : memref<1x104xi32, #tpu.memory_space<vmem>> -> memref<104xi32, #tpu.memory_space<vmem>>
    %dma_start3A_682 = arith.constant 0 : i32
    %dma_start3A_683 = arith.constant 0 : i32
    %dma_start3A_684 = tpu.memref_slice %arg10[%select_n3A_11, %dma_start3A_682, %dma_start3A_683] : memref<2x64x128xf32, #tpu.memory_space<vmem_shared>> -> memref<1x64x128xf32, #tpu.memory_space<vmem_shared>>
    %dma_start3A_685 = tpu.memref_squeeze %dma_start3A_684 : memref<1x64x128xf32, #tpu.memory_space<vmem_shared>> -> memref<64x128xf32, #tpu.memory_space<vmem_shared>>
    %dma_start3A_686 = arith.constant 0 : i32
    %dma_start3A_687 = arith.constant 0 : i32
    %dma_start3A_688 = tpu.memref_slice %dma_start3A_685[%dma_start3A_686, %dma_start3A_687] : memref<64x128xf32, #tpu.memory_space<vmem_shared>> -> memref<64x128xf32, #tpu.memory_space<vmem_shared>>
    tpu.enqueue_indirect_dma source(%dma_start3A_678 : memref<104x128xf32, #tpu.memory_space<vmem>>) target(%dma_start3A_688 : memref<64x128xf32, #tpu.memory_space<vmem_shared>>) offsets(%dma_start3A_681 : memref<104xi32, #tpu.memory_space<vmem>>) semaphore(%arg15 : memref<!tpu.dma_semaphore, #tpu.memory_space<semaphore_mem>>) {add = true}
    %dma_wait3A_689 = arith.constant 208 : i32
    %dma_wait3A_690 = arith.constant 0 : i32
    %dma_wait3A_691 = tpu.memref_slice %arg5[%dma_wait3A_689, %dma_wait3A_690] : memref<312x128xf32, #tpu.memory_space<vmem>> -> memref<104x128xf32, #tpu.memory_space<vmem>>
    %dma_wait3A_692 = arith.constant 0 : i32
    %dma_wait3A_693 = tpu.memref_slice %arg2[%add3A_57, %dma_wait3A_692] : memref<10000x128xf32, #tpu.memory_space<hbm>> -> memref<104x128xf32, #tpu.memory_space<hbm>>
    %dma_wait3A_694 = arith.constant 208 : i32
    %dma_wait3A_695 = arith.constant 0 : i32
    %dma_wait3A_696 = tpu.memref_slice %arg5[%dma_wait3A_694, %dma_wait3A_695] : memref<312x128xf32, #tpu.memory_space<vmem>> -> memref<104x128xf32, #tpu.memory_space<vmem>>
    %dma_wait3A_697 = arith.constant 0 : i32
    %dma_wait3A_698 = tpu.memref_slice %arg2[%add3A_57, %dma_wait3A_697] : memref<10000x128xf32, #tpu.memory_space<hbm>> -> memref<104x128xf32, #tpu.memory_space<hbm>>
    tpu.wait_dma2 semaphore(%arg13 : memref<!tpu.dma_semaphore, #tpu.memory_space<semaphore_mem>>) src(%dma_wait3A_698 : memref<104x128xf32, #tpu.memory_space<hbm>>) dst(%dma_wait3A_696 : memref<104x128xf32, #tpu.memory_space<vmem>>)
    %dma_start3A_699 = arith.constant 2 : i32
    %dma_start3A_700 = arith.constant 208 : i32
    %dma_start3A_701 = arith.constant 0 : i32
    %dma_start3A_702 = tpu.memref_slice %arg5[%dma_start3A_700, %dma_start3A_701] : memref<312x128xf32, #tpu.memory_space<vmem>> -> memref<104x128xf32, #tpu.memory_space<vmem>>
    %dma_start3A_703 = arith.constant 0 : i32
    %dma_start3A_704 = tpu.memref_slice %arg6[%dma_start3A_699, %dma_start3A_703] : memref<3x104xi32, #tpu.memory_space<vmem>> -> memref<1x104xi32, #tpu.memory_space<vmem>>
    %dma_start3A_705 = tpu.memref_squeeze %dma_start3A_704 : memref<1x104xi32, #tpu.memory_space<vmem>> -> memref<104xi32, #tpu.memory_space<vmem>>
    %dma_start3A_706 = arith.constant 0 : i32
    %dma_start3A_707 = arith.constant 0 : i32
    %dma_start3A_708 = tpu.memref_slice %arg10[%select_n3A_11, %dma_start3A_706, %dma_start3A_707] : memref<2x64x128xf32, #tpu.memory_space<vmem_shared>> -> memref<1x64x128xf32, #tpu.memory_space<vmem_shared>>
    %dma_start3A_709 = tpu.memref_squeeze %dma_start3A_708 : memref<1x64x128xf32, #tpu.memory_space<vmem_shared>> -> memref<64x128xf32, #tpu.memory_space<vmem_shared>>
    %dma_start3A_710 = arith.constant 0 : i32
    %dma_start3A_711 = arith.constant 0 : i32
    %dma_start3A_712 = tpu.memref_slice %dma_start3A_709[%dma_start3A_710, %dma_start3A_711] : memref<64x128xf32, #tpu.memory_space<vmem_shared>> -> memref<64x128xf32, #tpu.memory_space<vmem_shared>>
    tpu.enqueue_indirect_dma source(%dma_start3A_702 : memref<104x128xf32, #tpu.memory_space<vmem>>) target(%dma_start3A_712 : memref<64x128xf32, #tpu.memory_space<vmem_shared>>) offsets(%dma_start3A_705 : memref<104xi32, #tpu.memory_space<vmem>>) semaphore(%arg15 : memref<!tpu.dma_semaphore, #tpu.memory_space<semaphore_mem>>) {add = true}
    %eq3A_713 = arith.constant 15 : i32
    %eq3A_714 = arith.cmpi eq, %arg1, %eq3A_713 : i32
    %eq3A_715 = arith.constant 1 : i32
    %eq3A_716 = arith.cmpi eq, %arg0, %eq3A_715 : i32
    %and3A_717 = arith.andi %eq3A_714, %eq3A_716 : i1
    %convert_element_type3A = arith.extui %and3A_717 : i1 to i32
    %cond3A = arith.constant 0 : i32
    %cond3A_718 = arith.cmpi ne, %convert_element_type3A, %cond3A : i32
    scf.if %cond3A_718 {
      "tpu.region"() ({
        %run_scoped3A_771 = tpu.sem_alloc : memref<!tpu.dma_semaphore, #tpu.memory_space<semaphore_mem>>
        %dma_start3A_772 = arith.constant 9984 : i32
        %dma_start3A_773 = arith.constant 0 : i32
        %dma_start3A_774 = tpu.memref_slice %arg2[%dma_start3A_772, %dma_start3A_773] : memref<10000x128xf32, #tpu.memory_space<hbm>> -> memref<16x128xf32, #tpu.memory_space<hbm>>
        %dma_start3A_775 = arith.constant 9984 : i32
        %dma_start3A_776 = arith.constant 0 : i32
        %dma_start3A_777 = tpu.memref_slice %arg2[%dma_start3A_775, %dma_start3A_776] : memref<10000x128xf32, #tpu.memory_space<hbm>> -> memref<16x128xf32, #tpu.memory_space<hbm>>
        tpu.enqueue_dma source(%dma_start3A_777 : memref<16x128xf32, #tpu.memory_space<hbm>>) target(%arg7 : memref<16x128xf32, #tpu.memory_space<vmem>>) target_semaphore(%run_scoped3A_771 : memref<!tpu.dma_semaphore, #tpu.memory_space<semaphore_mem>>)
        %dma_wait3A_778 = arith.constant 9984 : i32
        %dma_wait3A_779 = arith.constant 0 : i32
        %dma_wait3A_780 = tpu.memref_slice %arg2[%dma_wait3A_778, %dma_wait3A_779] : memref<10000x128xf32, #tpu.memory_space<hbm>> -> memref<16x128xf32, #tpu.memory_space<hbm>>
        %dma_wait3A_781 = arith.constant 9984 : i32
        %dma_wait3A_782 = arith.constant 0 : i32
        %dma_wait3A_783 = tpu.memref_slice %arg2[%dma_wait3A_781, %dma_wait3A_782] : memref<10000x128xf32, #tpu.memory_space<hbm>> -> memref<16x128xf32, #tpu.memory_space<hbm>>
        tpu.wait_dma2 semaphore(%run_scoped3A_771 : memref<!tpu.dma_semaphore, #tpu.memory_space<semaphore_mem>>) src(%dma_wait3A_783 : memref<16x128xf32, #tpu.memory_space<hbm>>) dst(%arg7 : memref<16x128xf32, #tpu.memory_space<vmem>>)
        tpu.yield
      }) : () -> ()
      %run_scoped3A = arith.constant 0 : i32
      "tpu.region"() ({
        %run_scoped3A_771 = tpu.sem_alloc : memref<!tpu.dma_semaphore, #tpu.memory_space<semaphore_mem>>
        %dma_start3A_772 = arith.constant 0 : i32
        %dma_start3A_773 = tpu.memref_slice %arg8[%run_scoped3A, %dma_start3A_772] : memref<1x16xi32, #tpu.memory_space<vmem>> -> memref<1x16xi32, #tpu.memory_space<vmem>>
        %dma_start3A_774 = tpu.memref_squeeze %dma_start3A_773 : memref<1x16xi32, #tpu.memory_space<vmem>> -> memref<16xi32, #tpu.memory_space<vmem>>
        %dma_start3A_775 = arith.constant 9984 : i32
        %dma_start3A_776 = tpu.memref_slice %arg3[%dma_start3A_775] : memref<10000xi32, #tpu.memory_space<hbm>> -> memref<16xi32, #tpu.memory_space<hbm>>
        %dma_start3A_777 = arith.constant 0 : i32
        %dma_start3A_778 = tpu.memref_slice %arg8[%run_scoped3A, %dma_start3A_777] : memref<1x16xi32, #tpu.memory_space<vmem>> -> memref<1x16xi32, #tpu.memory_space<vmem>>
        %dma_start3A_779 = tpu.memref_squeeze %dma_start3A_778 : memref<1x16xi32, #tpu.memory_space<vmem>> -> memref<16xi32, #tpu.memory_space<vmem>>
        %dma_start3A_780 = arith.constant 9984 : i32
        %dma_start3A_781 = tpu.memref_slice %arg3[%dma_start3A_780] : memref<10000xi32, #tpu.memory_space<hbm>> -> memref<16xi32, #tpu.memory_space<hbm>>
        tpu.enqueue_dma source(%dma_start3A_781 : memref<16xi32, #tpu.memory_space<hbm>>) target(%dma_start3A_779 : memref<16xi32, #tpu.memory_space<vmem>>) target_semaphore(%run_scoped3A_771 : memref<!tpu.dma_semaphore, #tpu.memory_space<semaphore_mem>>)
        %dma_wait3A_782 = arith.constant 0 : i32
        %dma_wait3A_783 = tpu.memref_slice %arg8[%run_scoped3A, %dma_wait3A_782] : memref<1x16xi32, #tpu.memory_space<vmem>> -> memref<1x16xi32, #tpu.memory_space<vmem>>
        %dma_wait3A_784 = tpu.memref_squeeze %dma_wait3A_783 : memref<1x16xi32, #tpu.memory_space<vmem>> -> memref<16xi32, #tpu.memory_space<vmem>>
        %dma_wait3A_785 = arith.constant 9984 : i32
        %dma_wait3A_786 = tpu.memref_slice %arg3[%dma_wait3A_785] : memref<10000xi32, #tpu.memory_space<hbm>> -> memref<16xi32, #tpu.memory_space<hbm>>
        %dma_wait3A_787 = arith.constant 0 : i32
        %dma_wait3A_788 = tpu.memref_slice %arg8[%run_scoped3A, %dma_wait3A_787] : memref<1x16xi32, #tpu.memory_space<vmem>> -> memref<1x16xi32, #tpu.memory_space<vmem>>
        %dma_wait3A_789 = tpu.memref_squeeze %dma_wait3A_788 : memref<1x16xi32, #tpu.memory_space<vmem>> -> memref<16xi32, #tpu.memory_space<vmem>>
        %dma_wait3A_790 = arith.constant 9984 : i32
        %dma_wait3A_791 = tpu.memref_slice %arg3[%dma_wait3A_790] : memref<10000xi32, #tpu.memory_space<hbm>> -> memref<16xi32, #tpu.memory_space<hbm>>
        tpu.wait_dma2 semaphore(%run_scoped3A_771 : memref<!tpu.dma_semaphore, #tpu.memory_space<semaphore_mem>>) src(%dma_wait3A_791 : memref<16xi32, #tpu.memory_space<hbm>>) dst(%dma_wait3A_789 : memref<16xi32, #tpu.memory_space<vmem>>)
        tpu.yield
      }) : () -> ()
      %run_scoped3A_770 = arith.constant 0 : i32
      "tpu.region"() ({
        %run_scoped3A_771 = tpu.sem_alloc : memref<!tpu.dma_semaphore, #tpu.memory_space<semaphore_mem>>
        %dma_start3A_772 = arith.constant 0 : i32
        %dma_start3A_773 = tpu.memref_slice %arg8[%run_scoped3A_770, %dma_start3A_772] : memref<1x16xi32, #tpu.memory_space<vmem>> -> memref<1x16xi32, #tpu.memory_space<vmem>>
        %dma_start3A_774 = tpu.memref_squeeze %dma_start3A_773 : memref<1x16xi32, #tpu.memory_space<vmem>> -> memref<16xi32, #tpu.memory_space<vmem>>
        %dma_start3A_775 = arith.constant 0 : i32
        %dma_start3A_776 = arith.constant 0 : i32
        %dma_start3A_777 = tpu.memref_slice %arg10[%select_n3A_11, %dma_start3A_775, %dma_start3A_776] : memref<2x64x128xf32, #tpu.memory_space<vmem_shared>> -> memref<1x64x128xf32, #tpu.memory_space<vmem_shared>>
        %dma_start3A_778 = tpu.memref_squeeze %dma_start3A_777 : memref<1x64x128xf32, #tpu.memory_space<vmem_shared>> -> memref<64x128xf32, #tpu.memory_space<vmem_shared>>
        %dma_start3A_779 = arith.constant 0 : i32
        %dma_start3A_780 = arith.constant 0 : i32
        %dma_start3A_781 = tpu.memref_slice %dma_start3A_778[%dma_start3A_779, %dma_start3A_780] : memref<64x128xf32, #tpu.memory_space<vmem_shared>> -> memref<64x128xf32, #tpu.memory_space<vmem_shared>>
        tpu.enqueue_indirect_dma source(%arg7 : memref<16x128xf32, #tpu.memory_space<vmem>>) target(%dma_start3A_781 : memref<64x128xf32, #tpu.memory_space<vmem_shared>>) offsets(%dma_start3A_774 : memref<16xi32, #tpu.memory_space<vmem>>) semaphore(%run_scoped3A_771 : memref<!tpu.dma_semaphore, #tpu.memory_space<semaphore_mem>>) {add = true}
        %dma_wait3A_782 = arith.constant 0 : i32
        %dma_wait3A_783 = tpu.memref_slice %arg8[%run_scoped3A_770, %dma_wait3A_782] : memref<1x16xi32, #tpu.memory_space<vmem>> -> memref<1x16xi32, #tpu.memory_space<vmem>>
        %dma_wait3A_784 = tpu.memref_squeeze %dma_wait3A_783 : memref<1x16xi32, #tpu.memory_space<vmem>> -> memref<16xi32, #tpu.memory_space<vmem>>
        %dma_wait3A_785 = arith.constant 0 : i32
        %dma_wait3A_786 = arith.constant 0 : i32
        %dma_wait3A_787 = tpu.memref_slice %arg10[%select_n3A_11, %dma_wait3A_785, %dma_wait3A_786] : memref<2x64x128xf32, #tpu.memory_space<vmem_shared>> -> memref<1x64x128xf32, #tpu.memory_space<vmem_shared>>
        %dma_wait3A_788 = tpu.memref_squeeze %dma_wait3A_787 : memref<1x64x128xf32, #tpu.memory_space<vmem_shared>> -> memref<64x128xf32, #tpu.memory_space<vmem_shared>>
        %dma_wait3A_789 = arith.constant 0 : i32
        %dma_wait3A_790 = arith.constant 0 : i32
        %dma_wait3A_791 = tpu.memref_slice %dma_wait3A_788[%dma_wait3A_789, %dma_wait3A_790] : memref<64x128xf32, #tpu.memory_space<vmem_shared>> -> memref<64x128xf32, #tpu.memory_space<vmem_shared>>
        tpu.wait_indirect_dma semaphore(%run_scoped3A_771 : memref<!tpu.dma_semaphore, #tpu.memory_space<semaphore_mem>>) src(%arg7 : memref<16x128xf32, #tpu.memory_space<vmem>>) dst(%dma_wait3A_791 : memref<64x128xf32, #tpu.memory_space<vmem_shared>>)
        tpu.yield
      }) : () -> ()
    } else {
    }
    %dma_wait3A_719 = arith.constant 0 : i32
    %dma_wait3A_720 = arith.constant 0 : i32
    %dma_wait3A_721 = arith.constant 0 : i32
    %dma_wait3A_722 = tpu.memref_slice %arg5[%dma_wait3A_720, %dma_wait3A_721] : memref<312x128xf32, #tpu.memory_space<vmem>> -> memref<104x128xf32, #tpu.memory_space<vmem>>
    %dma_wait3A_723 = arith.constant 0 : i32
    %dma_wait3A_724 = tpu.memref_slice %arg6[%dma_wait3A_719, %dma_wait3A_723] : memref<3x104xi32, #tpu.memory_space<vmem>> -> memref<1x104xi32, #tpu.memory_space<vmem>>
    %dma_wait3A_725 = tpu.memref_squeeze %dma_wait3A_724 : memref<1x104xi32, #tpu.memory_space<vmem>> -> memref<104xi32, #tpu.memory_space<vmem>>
    %dma_wait3A_726 = arith.constant 0 : i32
    %dma_wait3A_727 = arith.constant 0 : i32
    %dma_wait3A_728 = tpu.memref_slice %arg10[%select_n3A_11, %dma_wait3A_726, %dma_wait3A_727] : memref<2x64x128xf32, #tpu.memory_space<vmem_shared>> -> memref<1x64x128xf32, #tpu.memory_space<vmem_shared>>
    %dma_wait3A_729 = tpu.memref_squeeze %dma_wait3A_728 : memref<1x64x128xf32, #tpu.memory_space<vmem_shared>> -> memref<64x128xf32, #tpu.memory_space<vmem_shared>>
    %dma_wait3A_730 = arith.constant 0 : i32
    %dma_wait3A_731 = arith.constant 0 : i32
    %dma_wait3A_732 = tpu.memref_slice %dma_wait3A_729[%dma_wait3A_730, %dma_wait3A_731] : memref<64x128xf32, #tpu.memory_space<vmem_shared>> -> memref<64x128xf32, #tpu.memory_space<vmem_shared>>
    tpu.wait_indirect_dma semaphore(%arg15 : memref<!tpu.dma_semaphore, #tpu.memory_space<semaphore_mem>>) src(%dma_wait3A_722 : memref<104x128xf32, #tpu.memory_space<vmem>>) dst(%dma_wait3A_732 : memref<64x128xf32, #tpu.memory_space<vmem_shared>>)
    %dma_wait3A_733 = arith.constant 1 : i32
    %dma_wait3A_734 = arith.constant 104 : i32
    %dma_wait3A_735 = arith.constant 0 : i32
    %dma_wait3A_736 = tpu.memref_slice %arg5[%dma_wait3A_734, %dma_wait3A_735] : memref<312x128xf32, #tpu.memory_space<vmem>> -> memref<104x128xf32, #tpu.memory_space<vmem>>
    %dma_wait3A_737 = arith.constant 0 : i32
    %dma_wait3A_738 = tpu.memref_slice %arg6[%dma_wait3A_733, %dma_wait3A_737] : memref<3x104xi32, #tpu.memory_space<vmem>> -> memref<1x104xi32, #tpu.memory_space<vmem>>
    %dma_wait3A_739 = tpu.memref_squeeze %dma_wait3A_738 : memref<1x104xi32, #tpu.memory_space<vmem>> -> memref<104xi32, #tpu.memory_space<vmem>>
    %dma_wait3A_740 = arith.constant 0 : i32
    %dma_wait3A_741 = arith.constant 0 : i32
    %dma_wait3A_742 = tpu.memref_slice %arg10[%select_n3A_11, %dma_wait3A_740, %dma_wait3A_741] : memref<2x64x128xf32, #tpu.memory_space<vmem_shared>> -> memref<1x64x128xf32, #tpu.memory_space<vmem_shared>>
    %dma_wait3A_743 = tpu.memref_squeeze %dma_wait3A_742 : memref<1x64x128xf32, #tpu.memory_space<vmem_shared>> -> memref<64x128xf32, #tpu.memory_space<vmem_shared>>
    %dma_wait3A_744 = arith.constant 0 : i32
    %dma_wait3A_745 = arith.constant 0 : i32
    %dma_wait3A_746 = tpu.memref_slice %dma_wait3A_743[%dma_wait3A_744, %dma_wait3A_745] : memref<64x128xf32, #tpu.memory_space<vmem_shared>> -> memref<64x128xf32, #tpu.memory_space<vmem_shared>>
    tpu.wait_indirect_dma semaphore(%arg15 : memref<!tpu.dma_semaphore, #tpu.memory_space<semaphore_mem>>) src(%dma_wait3A_736 : memref<104x128xf32, #tpu.memory_space<vmem>>) dst(%dma_wait3A_746 : memref<64x128xf32, #tpu.memory_space<vmem_shared>>)
    %dma_wait3A_747 = arith.constant 2 : i32
    %dma_wait3A_748 = arith.constant 208 : i32
    %dma_wait3A_749 = arith.constant 0 : i32
    %dma_wait3A_750 = tpu.memref_slice %arg5[%dma_wait3A_748, %dma_wait3A_749] : memref<312x128xf32, #tpu.memory_space<vmem>> -> memref<104x128xf32, #tpu.memory_space<vmem>>
    %dma_wait3A_751 = arith.constant 0 : i32
    %dma_wait3A_752 = tpu.memref_slice %arg6[%dma_wait3A_747, %dma_wait3A_751] : memref<3x104xi32, #tpu.memory_space<vmem>> -> memref<1x104xi32, #tpu.memory_space<vmem>>
    %dma_wait3A_753 = tpu.memref_squeeze %dma_wait3A_752 : memref<1x104xi32, #tpu.memory_space<vmem>> -> memref<104xi32, #tpu.memory_space<vmem>>
    %dma_wait3A_754 = arith.constant 0 : i32
    %dma_wait3A_755 = arith.constant 0 : i32
    %dma_wait3A_756 = tpu.memref_slice %arg10[%select_n3A_11, %dma_wait3A_754, %dma_wait3A_755] : memref<2x64x128xf32, #tpu.memory_space<vmem_shared>> -> memref<1x64x128xf32, #tpu.memory_space<vmem_shared>>
    %dma_wait3A_757 = tpu.memref_squeeze %dma_wait3A_756 : memref<1x64x128xf32, #tpu.memory_space<vmem_shared>> -> memref<64x128xf32, #tpu.memory_space<vmem_shared>>
    %dma_wait3A_758 = arith.constant 0 : i32
    %dma_wait3A_759 = arith.constant 0 : i32
    %dma_wait3A_760 = tpu.memref_slice %dma_wait3A_757[%dma_wait3A_758, %dma_wait3A_759] : memref<64x128xf32, #tpu.memory_space<vmem_shared>> -> memref<64x128xf32, #tpu.memory_space<vmem_shared>>
    tpu.wait_indirect_dma semaphore(%arg15 : memref<!tpu.dma_semaphore, #tpu.memory_space<semaphore_mem>>) src(%dma_wait3A_750 : memref<104x128xf32, #tpu.memory_space<vmem>>) dst(%dma_wait3A_760 : memref<64x128xf32, #tpu.memory_space<vmem_shared>>)
    %barrier3A_761 = arith.constant 0 : index
    tpu.barrier barrier_id(%barrier3A_761)
    %mul3A_762 = arith.constant 2 : i32
    %mul3A_763 = arith.muli %select_n3A_32, %mul3A_762 : i32
    %mul3A_764 = arith.constant 4 : i32
    %mul3A_765 = arith.muli %mul3A_763, %mul3A_764 : i32
    %mul3A_766 = arith.constant 2 : i32
    %mul3A_767 = arith.muli %select_n3A_32, %mul3A_766 : i32
    %mul3A_768 = arith.constant 4 : i32
    %mul3A_769 = arith.muli %mul3A_767, %mul3A_768 : i32
    "tpu.region"() ({
      %run_scoped3A = tpu.sem_alloc : memref<!tpu.dma_semaphore, #tpu.memory_space<semaphore_mem>>
      %dma_start3A_770 = arith.constant 0 : i32
      %dma_start3A_771 = tpu.memref_slice %arg4[%arg0, %select_n3A_11, %mul3A_769, %dma_start3A_770] : memref<2x2x64x128xf32, #tpu.memory_space<hbm>> -> memref<1x1x8x128xf32, #tpu.memory_space<hbm>>
      %dma_start3A_772 = tpu.memref_squeeze %dma_start3A_771 : memref<1x1x8x128xf32, #tpu.memory_space<hbm>> -> memref<8x128xf32, #tpu.memory_space<hbm>>
      %dma_start3A_773 = arith.constant 0 : i32
      %dma_start3A_774 = tpu.memref_slice %arg10[%select_n3A_11, %mul3A_765, %dma_start3A_773] : memref<2x64x128xf32, #tpu.memory_space<vmem_shared>> -> memref<1x8x128xf32, #tpu.memory_space<vmem_shared>>
      %dma_start3A_775 = tpu.memref_squeeze %dma_start3A_774 : memref<1x8x128xf32, #tpu.memory_space<vmem_shared>> -> memref<8x128xf32, #tpu.memory_space<vmem_shared>>
      tpu.enqueue_dma source(%dma_start3A_775 : memref<8x128xf32, #tpu.memory_space<vmem_shared>>) target(%dma_start3A_772 : memref<8x128xf32, #tpu.memory_space<hbm>>) target_semaphore(%run_scoped3A : memref<!tpu.dma_semaphore, #tpu.memory_space<semaphore_mem>>)
      %dma_wait3A_776 = arith.constant 0 : i32
      %dma_wait3A_777 = tpu.memref_slice %arg4[%arg0, %select_n3A_11, %mul3A_769, %dma_wait3A_776] : memref<2x2x64x128xf32, #tpu.memory_space<hbm>> -> memref<1x1x8x128xf32, #tpu.memory_space<hbm>>
      %dma_wait3A_778 = tpu.memref_squeeze %dma_wait3A_777 : memref<1x1x8x128xf32, #tpu.memory_space<hbm>> -> memref<8x128xf32, #tpu.memory_space<hbm>>
      %dma_wait3A_779 = arith.constant 0 : i32
      %dma_wait3A_780 = tpu.memref_slice %arg10[%select_n3A_11, %mul3A_765, %dma_wait3A_779] : memref<2x64x128xf32, #tpu.memory_space<vmem_shared>> -> memref<1x8x128xf32, #tpu.memory_space<vmem_shared>>
      %dma_wait3A_781 = tpu.memref_squeeze %dma_wait3A_780 : memref<1x8x128xf32, #tpu.memory_space<vmem_shared>> -> memref<8x128xf32, #tpu.memory_space<vmem_shared>>
      tpu.wait_dma2 semaphore(%run_scoped3A : memref<!tpu.dma_semaphore, #tpu.memory_space<semaphore_mem>>) src(%dma_wait3A_781 : memref<8x128xf32, #tpu.memory_space<vmem_shared>>) dst(%dma_wait3A_778 : memref<8x128xf32, #tpu.memory_space<hbm>>)
      tpu.yield
    }) : () -> ()
    return
  }
}

module attributes {stable_mosaic.version = 14 : i64} {
  func.func @_counts_body(%arg0: memref<10000xi32, #tpu.memory_space<vmem>>, %arg1: memref<64x1xf32, #tpu.memory_space<vmem>>) attributes {dimension_semantics = [], scalar_prefetch = 0 : i64, scratch_operands = 0 : i64, tpu.core_type = #tpu.core_type<tc>} {
    %get3A = arith.constant 0 : index
    %get3A_0 = vector.load %arg0[%get3A] : memref<10000xi32, #tpu.memory_space<vmem>>, vector<10000xi32>
    %iota3A = tpu.iota {dimensions = array<i32: 0>} : vector<64x10000xi32>
    %broadcast_in_dim3A = vector.shape_cast %get3A_0 : vector<10000xi32> to vector<1x10000xi32>
    %eq3A = vector.broadcast %broadcast_in_dim3A : vector<1x10000xi32> to vector<64x10000xi32>
    %eq3A_1 = arith.cmpi eq, %eq3A, %iota3A : vector<64x10000xi32>
    %jit3A = arith.constant 1.000000e+00 : f32
    %jit3A_2 = arith.constant 0.000000e+00 : f32
    %broadcast_in_dim3A_3 = vector.broadcast %jit3A : f32 to vector<64x10000xf32>
    %broadcast_in_dim3A_4 = vector.broadcast %jit3A_2 : f32 to vector<64x10000xf32>
    %select_n3A = arith.select %eq3A_1, %broadcast_in_dim3A_3, %broadcast_in_dim3A_4 : vector<64x10000xi1>, vector<64x10000xf32>
    %reduce_sum3A = arith.constant dense<0.000000e+00> : vector<64xf32>
    %reduce_sum3A_5 = vector.multi_reduction <add>, %select_n3A, %reduce_sum3A [1] : vector<64x10000xf32> to vector<64xf32>
    %broadcast_in_dim3A_6 = vector.shape_cast %reduce_sum3A_5 : vector<64xf32> to vector<64x1xf32>
    %swap3A = arith.constant 0 : index
    %swap3A_7 = arith.constant 0 : index
    %swap3A_8 = vector.load %arg1[%swap3A, %swap3A_7] : memref<64x1xf32, #tpu.memory_space<vmem>>, vector<64x1xf32>
    tpu.vector_store %arg1[%swap3A, %swap3A_7], %broadcast_in_dim3A_6 {strides = array<i32>} : memref<64x1xf32, #tpu.memory_space<vmem>>, vector<64x1xf32>,
    return
  }
}

module attributes {stable_mosaic.version = 14 : i64} {
  func.func @_mlp_body(%arg0: memref<4x64x128xf32, #tpu.memory_space<vmem>>, %arg1: memref<64x1xf32, #tpu.memory_space<vmem>>, %arg2: memref<64x64xf32, #tpu.memory_space<vmem>>, %arg3: memref<192xf32, #tpu.memory_space<vmem>>, %arg4: memref<192xf32, #tpu.memory_space<vmem>>, %arg5: memref<192x128xf32, #tpu.memory_space<vmem>>, %arg6: memref<128xf32, #tpu.memory_space<vmem>>, %arg7: memref<128xf32, #tpu.memory_space<vmem>>, %arg8: memref<128xf32, #tpu.memory_space<vmem>>, %arg9: memref<128x128xf32, #tpu.memory_space<vmem>>, %arg10: memref<128xf32, #tpu.memory_space<vmem>>, %arg11: memref<128xf32, #tpu.memory_space<vmem>>, %arg12: memref<128xf32, #tpu.memory_space<vmem>>, %arg13: memref<128x128xf32, #tpu.memory_space<vmem>>, %arg14: memref<128xf32, #tpu.memory_space<vmem>>, %arg15: memref<64x128xf32, #tpu.memory_space<vmem>>) attributes {dimension_semantics = [], scalar_prefetch = 0 : i64, scratch_operands = 0 : i64, tpu.core_type = #tpu.core_type<tc>} {
    %get3A = arith.constant 0 : index
    %get3A_0 = arith.constant 0 : index
    %get3A_1 = arith.constant 0 : index
    %get3A_2 = vector.load %arg0[%get3A, %get3A_0, %get3A_1] : memref<4x64x128xf32, #tpu.memory_space<vmem>>, vector<4x64x128xf32>
    %reduce_sum3A = arith.constant dense<0.000000e+00> : vector<64x128xf32>
    %reduce_sum3A_3 = vector.multi_reduction <add>, %get3A_2, %reduce_sum3A [0] : vector<4x64x128xf32> to vector<64x128xf32>
    %get3A_4 = arith.constant 0 : index
    %get3A_5 = arith.constant 0 : index
    %get3A_6 = vector.load %arg1[%get3A_4, %get3A_5] : memref<64x1xf32, #tpu.memory_space<vmem>>, vector<64x1xf32>
    %max3A = arith.constant 1.000000e+00 : f32
    %max3A_7 = vector.broadcast %max3A : f32 to vector<64x1xf32>
    %max3A_8 = arith.maximumf %get3A_6, %max3A_7 : vector<64x1xf32>
    %div3A = vector.broadcast %max3A_8 : vector<64x1xf32> to vector<64x128xf32>
    %div3A_9 = arith.divf %reduce_sum3A_3, %div3A : vector<64x128xf32>
    %get3A_10 = arith.constant 0 : index
    %get3A_11 = arith.constant 0 : index
    %get3A_12 = vector.load %arg2[%get3A_10, %get3A_11] : memref<64x64xf32, #tpu.memory_space<vmem>>, vector<64x64xf32>
    %concatenate3A = tpu.concatenate %get3A_12, %div3A_9 in 1 : vector<64x64xf32>, vector<64x128xf32> -> vector<64x192xf32>
    %get3A_13 = arith.constant 0 : index
    %get3A_14 = vector.load %arg3[%get3A_13] : memref<192xf32, #tpu.memory_space<vmem>>, vector<192xf32>
    %get3A_15 = arith.constant 0 : index
    %get3A_16 = vector.load %arg4[%get3A_15] : memref<192xf32, #tpu.memory_space<vmem>>, vector<192xf32>
    %reduce_sum3A_17 = arith.constant dense<0.000000e+00> : vector<192xf32>
    %reduce_sum3A_18 = vector.multi_reduction <add>, %concatenate3A, %reduce_sum3A_17 [0] : vector<64x192xf32> to vector<192xf32>
    %broadcast_in_dim3A = vector.shape_cast %reduce_sum3A_18 : vector<192xf32> to vector<1x192xf32>
    %div3A_19 = arith.constant 6.400000e+01 : f32
    %div3A_20 = vector.broadcast %div3A_19 : f32 to vector<1x192xf32>
    %div3A_21 = arith.divf %broadcast_in_dim3A, %div3A_20 : vector<1x192xf32>
    %sub3A = vector.broadcast %div3A_21 : vector<1x192xf32> to vector<64x192xf32>
    %sub3A_22 = arith.subf %concatenate3A, %sub3A : vector<64x192xf32>
    %integer_pow3A = arith.mulf %sub3A_22, %sub3A_22 : vector<64x192xf32>
    %reduce_sum3A_23 = arith.constant dense<0.000000e+00> : vector<192xf32>
    %reduce_sum3A_24 = vector.multi_reduction <add>, %integer_pow3A, %reduce_sum3A_23 [0] : vector<64x192xf32> to vector<192xf32>
    %broadcast_in_dim3A_25 = vector.shape_cast %reduce_sum3A_24 : vector<192xf32> to vector<1x192xf32>
    %div3A_26 = arith.constant 6.400000e+01 : f32
    %div3A_27 = vector.broadcast %div3A_26 : f32 to vector<1x192xf32>
    %div3A_28 = arith.divf %broadcast_in_dim3A_25, %div3A_27 : vector<1x192xf32>
    %sub3A_29 = vector.broadcast %div3A_21 : vector<1x192xf32> to vector<64x192xf32>
    %sub3A_30 = arith.subf %concatenate3A, %sub3A_29 : vector<64x192xf32>
    %add3A = arith.constant 9.99999974E-6 : f32
    %add3A_31 = vector.broadcast %add3A : f32 to vector<1x192xf32>
    %add3A_32 = arith.addf %div3A_28, %add3A_31 : vector<1x192xf32>
    %rsqrt3A = math.rsqrt %add3A_32 : vector<1x192xf32>
    %mul3A = vector.broadcast %rsqrt3A : vector<1x192xf32> to vector<64x192xf32>
    %mul3A_33 = arith.mulf %sub3A_30, %mul3A : vector<64x192xf32>
    %reshape3A = vector.shape_cast %get3A_14 : vector<192xf32> to vector<1x192xf32>
    %mul3A_34 = vector.broadcast %reshape3A : vector<1x192xf32> to vector<64x192xf32>
    %mul3A_35 = arith.mulf %mul3A_33, %mul3A_34 : vector<64x192xf32>
    %reshape3A_36 = vector.shape_cast %get3A_16 : vector<192xf32> to vector<1x192xf32>
    %add3A_37 = vector.broadcast %reshape3A_36 : vector<1x192xf32> to vector<64x192xf32>
    %add3A_38 = arith.addf %mul3A_35, %add3A_37 : vector<64x192xf32>
    %get3A_39 = arith.constant 0 : index
    %get3A_40 = arith.constant 0 : index
    %get3A_41 = vector.load %arg5[%get3A_39, %get3A_40] : memref<192x128xf32, #tpu.memory_space<vmem>>, vector<192x128xf32>
    %dot_general3A = arith.constant dense<0.000000e+00> : vector<64x128xf32>
    %dot_general3A_42 = tpu.matmul %add3A_38, %get3A_41, %dot_general3A {dimension_numbers = #tpu.dot_dimension_numbers<[1], [0], [0], [1], [0, 0, 1, 1], [], []>, transpose_lhs_hint = false} : vector<64x192xf32>, vector<192x128xf32>, vector<64x128xf32> -> vector<64x128xf32>
    %get3A_43 = arith.constant 0 : index
    %get3A_44 = vector.load %arg6[%get3A_43] : memref<128xf32, #tpu.memory_space<vmem>>, vector<128xf32>
    %reshape3A_45 = vector.shape_cast %get3A_44 : vector<128xf32> to vector<1x128xf32>
    %add3A_46 = vector.broadcast %reshape3A_45 : vector<1x128xf32> to vector<64x128xf32>
    %add3A_47 = arith.addf %dot_general3A_42, %add3A_46 : vector<64x128xf32>
    %gt3A = arith.constant 0.000000e+00 : f32
    %gt3A_48 = vector.broadcast %gt3A : f32 to vector<64x128xf32>
    %gt3A_49 = arith.cmpf ogt, %add3A_47, %gt3A_48 : vector<64x128xf32>
    %min3A = arith.constant 0.000000e+00 : f32
    %min3A_50 = vector.broadcast %min3A : f32 to vector<64x128xf32>
    %min3A_51 = arith.minimumf %add3A_47, %min3A_50 : vector<64x128xf32>
    %exp3A = math.exp %min3A_51 : vector<64x128xf32>
    %sub3A_52 = arith.constant 1.000000e+00 : f32
    %sub3A_53 = vector.broadcast %sub3A_52 : f32 to vector<64x128xf32>
    %sub3A_54 = arith.subf %exp3A, %sub3A_53 : vector<64x128xf32>
    %select_n3A = arith.select %gt3A_49, %add3A_47, %sub3A_54 : vector<64x128xi1>, vector<64x128xf32>
    %get3A_55 = arith.constant 0 : index
    %get3A_56 = vector.load %arg7[%get3A_55] : memref<128xf32, #tpu.memory_space<vmem>>, vector<128xf32>
    %get3A_57 = arith.constant 0 : index
    %get3A_58 = vector.load %arg8[%get3A_57] : memref<128xf32, #tpu.memory_space<vmem>>, vector<128xf32>
    %reduce_sum3A_59 = arith.constant dense<0.000000e+00> : vector<128xf32>
    %reduce_sum3A_60 = vector.multi_reduction <add>, %select_n3A, %reduce_sum3A_59 [0] : vector<64x128xf32> to vector<128xf32>
    %broadcast_in_dim3A_61 = vector.shape_cast %reduce_sum3A_60 : vector<128xf32> to vector<1x128xf32>
    %div3A_62 = arith.constant 6.400000e+01 : f32
    %div3A_63 = vector.broadcast %div3A_62 : f32 to vector<1x128xf32>
    %div3A_64 = arith.divf %broadcast_in_dim3A_61, %div3A_63 : vector<1x128xf32>
    %sub3A_65 = vector.broadcast %div3A_64 : vector<1x128xf32> to vector<64x128xf32>
    %sub3A_66 = arith.subf %select_n3A, %sub3A_65 : vector<64x128xf32>
    %integer_pow3A_67 = arith.mulf %sub3A_66, %sub3A_66 : vector<64x128xf32>
    %reduce_sum3A_68 = arith.constant dense<0.000000e+00> : vector<128xf32>
    %reduce_sum3A_69 = vector.multi_reduction <add>, %integer_pow3A_67, %reduce_sum3A_68 [0] : vector<64x128xf32> to vector<128xf32>
    %broadcast_in_dim3A_70 = vector.shape_cast %reduce_sum3A_69 : vector<128xf32> to vector<1x128xf32>
    %div3A_71 = arith.constant 6.400000e+01 : f32
    %div3A_72 = vector.broadcast %div3A_71 : f32 to vector<1x128xf32>
    %div3A_73 = arith.divf %broadcast_in_dim3A_70, %div3A_72 : vector<1x128xf32>
    %sub3A_74 = vector.broadcast %div3A_64 : vector<1x128xf32> to vector<64x128xf32>
    %sub3A_75 = arith.subf %select_n3A, %sub3A_74 : vector<64x128xf32>
    %add3A_76 = arith.constant 9.99999974E-6 : f32
    %add3A_77 = vector.broadcast %add3A_76 : f32 to vector<1x128xf32>
    %add3A_78 = arith.addf %div3A_73, %add3A_77 : vector<1x128xf32>
    %rsqrt3A_79 = math.rsqrt %add3A_78 : vector<1x128xf32>
    %mul3A_80 = vector.broadcast %rsqrt3A_79 : vector<1x128xf32> to vector<64x128xf32>
    %mul3A_81 = arith.mulf %sub3A_75, %mul3A_80 : vector<64x128xf32>
    %reshape3A_82 = vector.shape_cast %get3A_56 : vector<128xf32> to vector<1x128xf32>
    %mul3A_83 = vector.broadcast %reshape3A_82 : vector<1x128xf32> to vector<64x128xf32>
    %mul3A_84 = arith.mulf %mul3A_81, %mul3A_83 : vector<64x128xf32>
    %reshape3A_85 = vector.shape_cast %get3A_58 : vector<128xf32> to vector<1x128xf32>
    %add3A_86 = vector.broadcast %reshape3A_85 : vector<1x128xf32> to vector<64x128xf32>
    %add3A_87 = arith.addf %mul3A_84, %add3A_86 : vector<64x128xf32>
    %get3A_88 = arith.constant 0 : index
    %get3A_89 = arith.constant 0 : index
    %get3A_90 = vector.load %arg9[%get3A_88, %get3A_89] : memref<128x128xf32, #tpu.memory_space<vmem>>, vector<128x128xf32>
    %dot_general3A_91 = arith.constant dense<0.000000e+00> : vector<64x128xf32>
    %dot_general3A_92 = tpu.matmul %add3A_87, %get3A_90, %dot_general3A_91 {dimension_numbers = #tpu.dot_dimension_numbers<[1], [1], [0], [0], [0, 0, 1, 0], [], []>, transpose_lhs_hint = false} : vector<64x128xf32>, vector<128x128xf32>, vector<64x128xf32> -> vector<64x128xf32>
    %get3A_93 = arith.constant 0 : index
    %get3A_94 = vector.load %arg10[%get3A_93] : memref<128xf32, #tpu.memory_space<vmem>>, vector<128xf32>
    %reshape3A_95 = vector.shape_cast %get3A_94 : vector<128xf32> to vector<1x128xf32>
    %add3A_96 = vector.broadcast %reshape3A_95 : vector<1x128xf32> to vector<64x128xf32>
    %add3A_97 = arith.addf %dot_general3A_92, %add3A_96 : vector<64x128xf32>
    %gt3A_98 = arith.constant 0.000000e+00 : f32
    %gt3A_99 = vector.broadcast %gt3A_98 : f32 to vector<64x128xf32>
    %gt3A_100 = arith.cmpf ogt, %add3A_97, %gt3A_99 : vector<64x128xf32>
    %min3A_101 = arith.constant 0.000000e+00 : f32
    %min3A_102 = vector.broadcast %min3A_101 : f32 to vector<64x128xf32>
    %min3A_103 = arith.minimumf %add3A_97, %min3A_102 : vector<64x128xf32>
    %exp3A_104 = math.exp %min3A_103 : vector<64x128xf32>
    %sub3A_105 = arith.constant 1.000000e+00 : f32
    %sub3A_106 = vector.broadcast %sub3A_105 : f32 to vector<64x128xf32>
    %sub3A_107 = arith.subf %exp3A_104, %sub3A_106 : vector<64x128xf32>
    %select_n3A_108 = arith.select %gt3A_100, %add3A_97, %sub3A_107 : vector<64x128xi1>, vector<64x128xf32>
    %get3A_109 = arith.constant 0 : index
    %get3A_110 = vector.load %arg11[%get3A_109] : memref<128xf32, #tpu.memory_space<vmem>>, vector<128xf32>
    %get3A_111 = arith.constant 0 : index
    %get3A_112 = vector.load %arg12[%get3A_111] : memref<128xf32, #tpu.memory_space<vmem>>, vector<128xf32>
    %reduce_sum3A_113 = arith.constant dense<0.000000e+00> : vector<128xf32>
    %reduce_sum3A_114 = vector.multi_reduction <add>, %select_n3A_108, %reduce_sum3A_113 [0] : vector<64x128xf32> to vector<128xf32>
    %broadcast_in_dim3A_115 = vector.shape_cast %reduce_sum3A_114 : vector<128xf32> to vector<1x128xf32>
    %div3A_116 = arith.constant 6.400000e+01 : f32
    %div3A_117 = vector.broadcast %div3A_116 : f32 to vector<1x128xf32>
    %div3A_118 = arith.divf %broadcast_in_dim3A_115, %div3A_117 : vector<1x128xf32>
    %sub3A_119 = vector.broadcast %div3A_118 : vector<1x128xf32> to vector<64x128xf32>
    %sub3A_120 = arith.subf %select_n3A_108, %sub3A_119 : vector<64x128xf32>
    %integer_pow3A_121 = arith.mulf %sub3A_120, %sub3A_120 : vector<64x128xf32>
    %reduce_sum3A_122 = arith.constant dense<0.000000e+00> : vector<128xf32>
    %reduce_sum3A_123 = vector.multi_reduction <add>, %integer_pow3A_121, %reduce_sum3A_122 [0] : vector<64x128xf32> to vector<128xf32>
    %broadcast_in_dim3A_124 = vector.shape_cast %reduce_sum3A_123 : vector<128xf32> to vector<1x128xf32>
    %div3A_125 = arith.constant 6.400000e+01 : f32
    %div3A_126 = vector.broadcast %div3A_125 : f32 to vector<1x128xf32>
    %div3A_127 = arith.divf %broadcast_in_dim3A_124, %div3A_126 : vector<1x128xf32>
    %sub3A_128 = vector.broadcast %div3A_118 : vector<1x128xf32> to vector<64x128xf32>
    %sub3A_129 = arith.subf %select_n3A_108, %sub3A_128 : vector<64x128xf32>
    %add3A_130 = arith.constant 9.99999974E-6 : f32
    %add3A_131 = vector.broadcast %add3A_130 : f32 to vector<1x128xf32>
    %add3A_132 = arith.addf %div3A_127, %add3A_131 : vector<1x128xf32>
    %rsqrt3A_133 = math.rsqrt %add3A_132 : vector<1x128xf32>
    %mul3A_134 = vector.broadcast %rsqrt3A_133 : vector<1x128xf32> to vector<64x128xf32>
    %mul3A_135 = arith.mulf %sub3A_129, %mul3A_134 : vector<64x128xf32>
    %reshape3A_136 = vector.shape_cast %get3A_110 : vector<128xf32> to vector<1x128xf32>
    %mul3A_137 = vector.broadcast %reshape3A_136 : vector<1x128xf32> to vector<64x128xf32>
    %mul3A_138 = arith.mulf %mul3A_135, %mul3A_137 : vector<64x128xf32>
    %reshape3A_139 = vector.shape_cast %get3A_112 : vector<128xf32> to vector<1x128xf32>
    %add3A_140 = vector.broadcast %reshape3A_139 : vector<1x128xf32> to vector<64x128xf32>
    %add3A_141 = arith.addf %mul3A_138, %add3A_140 : vector<64x128xf32>
    %get3A_142 = arith.constant 0 : index
    %get3A_143 = arith.constant 0 : index
    %get3A_144 = vector.load %arg13[%get3A_142, %get3A_143] : memref<128x128xf32, #tpu.memory_space<vmem>>, vector<128x128xf32>
    %dot_general3A_145 = arith.constant dense<0.000000e+00> : vector<64x128xf32>
    %dot_general3A_146 = tpu.matmul %add3A_141, %get3A_144, %dot_general3A_145 {dimension_numbers = #tpu.dot_dimension_numbers<[1], [1], [0], [0], [0, 0, 1, 0], [], []>, transpose_lhs_hint = false} : vector<64x128xf32>, vector<128x128xf32>, vector<64x128xf32> -> vector<64x128xf32>
    %get3A_147 = arith.constant 0 : index
    %get3A_148 = vector.load %arg14[%get3A_147] : memref<128xf32, #tpu.memory_space<vmem>>, vector<128xf32>
    %reshape3A_149 = vector.shape_cast %get3A_148 : vector<128xf32> to vector<1x128xf32>
    %add3A_150 = vector.broadcast %reshape3A_149 : vector<1x128xf32> to vector<64x128xf32>
    %add3A_151 = arith.addf %dot_general3A_146, %add3A_150 : vector<64x128xf32>
    %swap3A = arith.constant 0 : index
    %swap3A_152 = arith.constant 0 : index
    %swap3A_153 = vector.load %arg15[%swap3A, %swap3A_152] : memref<64x128xf32, #tpu.memory_space<vmem>>, vector<64x128xf32>
    tpu.vector_store %arg15[%swap3A, %swap3A_152], %add3A_151 {strides = array<i32>} : memref<64x128xf32, #tpu.memory_space<vmem>>, vector<64x128xf32>,
    return
  }
}

</mosaic_0001>

<sc_bundles>
// kernel: kernel.5.cloned.1.call-start
scs
__scs_entry_jumppad:
0x0: {  	(pc) =	sbr.rel $0x88, $3  }
0x1: {  	(tag) =	ssettag $0x0;
	lr =	simm.s32 $0x1  }
0x2: {  	[smem:$0x3F92] =	sst lr;
	_ =	strace $0xD0000000  }
0x3: {  	_ = 	snop  }
0x4: {  	_ = 	snop  }
0x5: {  	_ = 	snop  }
0x6: {  	_ = 	snop  }
0x7: {  	_ = 	snop  }
__scs_overlays_trampoline_lowered:
0x8: {  	[smem:$0x3FA1] =	sst s0  }
0x9: {  	[smem:$0x3FA2] =	sst s1  }
0xa: {  	[smem:$0x3FA3] =	sst s2  }
0xb: {  	[smem:$0x3FA4] =	sst s3  }
0xc: {  	[smem:$0x3FA5] =	sst s4  }
0xd: {  	[smem:$0x3FA6] =	sst s5  }
0xe: {  	[smem:$0x3FA7] =	sst s6  }
0xf: {  	[smem:$0x3FA8] =	sst s7  }
0x10: {  	[smem:$0x3FA9] =	sst s8  }
0x11: {  	[smem:$0x3FAA] =	sst s9;
	s0 =	simm.s32 @!p0 $0x0  }
0x12: {  	s1 =	sld [smem:$0x3F90];
	s0 =	simm.s32 @p0 $0x1  }
0x13: {  	[smem:$0x3FAB] =	sst s0;
	s0 =	simm.s32 @!p1 $0x0  }
0x14: {  	s2 =	sld [smem:$0x3F8F];
	s0 =	simm.s32 @p1 $0x1  }
0x15: {  	[smem:$0x3FAC] =	sst s0;
	s0 =	simm.s32 @!p2 $0x0  }
0x16: {  	s3 =	sld [smem:$0x3FDB];
	s0 =	simm.s32 @p2 $0x1  }
0x17: {  	s4 =	simm.s32 $0x1BF5;
	[smem:$0x3FAE] =	sst s0  }
0x18: {  	s0 =	sld [smem:$0x3F91];
	_ =	swait.ge [sflag:s4], $0x0  }
0x19: {  	s7 =	sld [smem:$0x3F92]  }
0x1a: {  	s8 =	sadd.s32 $0xFFFFE003, lr  }
0x1b: {  	s9 =	sadd.s32 $0xFFFFFEF7, lr;
	s5 =	simm.s32 $0xFFFFFFFF;
	p2 =	slt.u32 s8, $0xFFFFF086  }
0x1c: {  	p1 =	slt.u32 s9, $0xF7A;
	s5 =	simm.s32 @!p2 $0x0  }
0x1d: {  	s5 =	simm.s32 @p1 $0x1;
	p0 =	seq.s32 s7, s2  }
0x1e: {  	s7 =	smul.u32 @!p0 $0xF7A, s2;
	p2 =	seq.s32 @!p0 s5, $0x0  }
0x1f: {  	s9 =	smul.u32 $0xF7A, s1;
	s8 =	simm.s32 @!p0 $0x1BF5;
	p2 =	por !p2, p0  }
0x20: {  	[sflag:s8] =	ssyncset.s32 @!p0 $0xFFFFF086;
	s6 =	sadd.s32 @!p0 s3, s7;
	s7 =	simm.s32 @!p0 $0x108  }
0x21: {  	s3 =	sadd.s32 s3, s9;
	s6 =	sadd.s32 @!p0 $0x88, s6;
	s7 =	simm.s32 @p2 $0x1082  }
0x22: {  	[simem:s7], [sflag:s8] =	dma.local @!p0 [hbm:s6], $0xF7A  }
0x23: {  	s9 =	sor.u32 $0xD0000000, s2;
	s6 =	simm.s32 $0x108;
	_ =	swait.ge @!p0 [sflag:s8], $0x0  }
0x24: {  	s3 =	sadd.s32 $0x88, s3;
	s6 =	simm.s32 @!p1 $0x1082;
	[sflag:s4] =	ssyncset.s32 $0xFFFFF086  }
0x25: {  	[simem:s6], [sflag:s4] =	dma.local [hbm:s3], $0xF7A  }
0x26: {  	[smem:$0x3F92] =	sst s1;
	(tag) =	ssettag s2;
	_ =	strace s9  }
0x27: {  	s1 =	sld [smem:$0x3FA2]  }
0x28: {  	s2 =	sld [smem:$0x3FA3]  }
0x29: {  	s4 =	sld [smem:$0x3FA5]  }
0x2a: {  	p0 =	seq.s32 s5, $0x0;
	s5 =	sld [smem:$0x3FA6]  }
0x2b: {  	s6 =	sld [smem:$0x3FA7]  }
0x2c: {  	s7 =	sld [smem:$0x3FA8]  }
0x2d: {  	s3 =	simm.s32 $0x108;
	s8 =	sld [smem:$0x3FA9]  }
0x2e: {  	s3 =	simm.s32 @!p0 $0x1082;
	s9 =	sld [smem:$0x3FAA]  }
0x2f: {  	lr =	sadd.s32 s0, s3;
	s0 =	sld [smem:$0x3FA1]  }
0x30: {  	s3 =	sld [smem:$0x3FA4]  }
0x31: {  	[smem:$0x3FAD] =	sst s10  }
0x32: {  	s10 =	sld [smem:$0x3FAB];
	_ =	sdelay $0x3  }
0x33: {  	p0 =	seq.s32 s10, $0x1;
	s10 =	sld [smem:$0x3FAD];
	_ =	sdelay $0x3  }
0x34: {  	[smem:$0x3FAD] =	sst s10  }
0x35: {  	s10 =	sld [smem:$0x3FAC];
	_ =	sdelay $0x3  }
0x36: {  	p1 =	seq.s32 s10, $0x1;
	s10 =	sld [smem:$0x3FAD];
	_ =	sdelay $0x3  }
0x37: {  	[smem:$0x3FAD] =	sst s10  }
0x38: {  	s10 =	sld [smem:$0x3FAE]  }
0x39: {  	_ = 	snop;
	(pc) =	sbr.ind lr, $3  }
0x3a: {  	_ = 	snop  }
0x3b: {  	_ = 	snop  }
0x3c: {  	p2 =	seq.s32 s10, $0x1;
	s10 =	sld [smem:$0x3FAD]  }
0x3d: {  	_ =	shalt  }
0x3e: {  	_ =	shalt  }
0x3f: {  	_ =	shalt  }
0x40: {  	_ =	shalt  }
0x41: {  	_ =	shalt  }
0x42: {  	_ =	shalt  }
0x43: {  	_ =	shalt  }
0x44: {  	_ =	shalt  }
0x45: {  	_ =	shalt  }
0x46: {  	_ =	shalt  }
0x47: {  	_ =	shalt  }
0x48: {  	_ =	shalt  }
0x49: {  	_ =	shalt  }
0x4a: {  	_ =	shalt  }
0x4b: {  	_ =	shalt  }
0x4c: {  	_ =	shalt  }
0x4d: {  	_ =	shalt  }
0x4e: {  	_ =	shalt  }
0x4f: {  	_ =	shalt  }
0x50: {  	_ =	shalt  }
0x51: {  	_ =	shalt  }
0x52: {  	_ =	shalt  }
0x53: {  	_ =	shalt  }
0x54: {  	_ =	shalt  }
0x55: {  	_ =	shalt  }
0x56: {  	_ =	shalt  }
0x57: {  	_ =	shalt  }
0x58: {  	_ =	shalt  }
0x59: {  	_ =	shalt  }
0x5a: {  	_ =	shalt  }
0x5b: {  	_ =	shalt  }
0x5c: {  	_ =	shalt  }
0x5d: {  	_ =	shalt  }
0x5e: {  	_ =	shalt  }
0x5f: {  	_ =	shalt  }
0x60: {  	_ =	shalt  }
0x61: {  	_ =	shalt  }
0x62: {  	_ =	shalt  }
0x63: {  	_ =	shalt  }
0x64: {  	_ =	shalt  }
0x65: {  	_ =	shalt  }
0x66: {  	_ =	shalt  }
0x67: {  	_ =	shalt  }
0x68: {  	_ =	shalt  }
0x69: {  	_ =	shalt  }
0x6a: {  	_ =	shalt  }
0x6b: {  	_ =	shalt  }
0x6c: {  	_ =	shalt  }
0x6d: {  	_ =	shalt  }
0x6e: {  	_ =	shalt  }
0x6f: {  	_ =	shalt  }
0x70: {  	_ =	shalt  }
0x71: {  	_ =	shalt  }
0x72: {  	_ =	shalt  }
0x73: {  	_ =	shalt  }
0x74: {  	_ =	shalt  }
0x75: {  	_ =	shalt  }
0x76: {  	_ =	shalt  }
0x77: {  	_ =	shalt  }
0x78: {  	_ =	shalt  }
0x79: {  	_ =	shalt  }
0x7a: {  	_ =	shalt  }
0x7b: {  	_ =	shalt  }
0x7c: {  	_ =	shalt  }
0x7d: {  	_ =	shalt  }
0x7e: {  	_ =	shalt  }
0x7f: {  	_ =	shalt  }
0x80: {  	_ =	shalt  }
0x81: {  	_ =	shalt  }
0x82: {  	_ =	shalt  }
0x83: {  	_ =	shalt  }
0x84: {  	_ =	shalt  }
0x85: {  	_ =	shalt  }
0x86: {  	_ =	shalt  }
0x87: {  	_ =	shalt  }
.Lfunc_end0:
.L_simem_size_0:
called_computation_lowered:
.L_overlay_start_0:
0x88: {  	s2 =	sld [smem:$0x3FD9]  }
0x89: {  	s3 =	sld [smem:$0x3FFE];
	_ =	sdelay $0x1  }
0x8a: {  	s1 =	srdreg.scid  }
0x8b: {  	s0 =	sand.u32 $0x1, s1  }
0x8c: {  	s17 =	sshll.u32 s0, $0xA;
	s2 =	sadd.s32 s3, s2  }
0x8d: {  	s2 =	sadd.s32 s2, s17  }
0x8e: {  	[smem:$0x3FB9] =	sst s2  }
0x8f: {  	_ = 	snop  }
0x90: {  	s2 =	sld [smem:$0x3FC9]  }
0x91: {  	s18 =	sld [smem:$0x3FC7];
	(tm) =	ssettm $0x1  }
0x92: {  	s4 =	sld [smem:$0x3FFB];
	_ =	sdelay $0x3  }
0x93: {  	_ =	strace s4  }
0x94: {  	s4 =	sld [smem:$0x3FFC];
	_ =	sdelay $0x3  }
0x95: {  	_ =	strace s4  }
0x96: {  	s4 =	sld [smem:$0x3FFD];
	_ =	sdelay $0x3  }
0x97: {  	_ =	strace s4  }
0x98: {  	_ =	strace $0x8FFFFFFF  }
0x99: {  	s19 =	sld [smem:$0x3FDB];
	_ =	sdelay $0x1  }
0x9a: {  	s5 =	simm.s32 $_scs_section_size  }
0x9b: {  	s6 =	simm.s32 $_size__tile_overlayer_lowered;
	s7 =	simm.s32 $_tile_overlayer_lowered  }
0x9c: {  	s22 =	simm.s32 $0x1BFF;
	s21 =	sshll.u32 s7, $0x1;
	s4 =	sadd.s32 s5, s19  }
0x9d: {  	s8 =	simm.s32 $0x0;
	s20 =	sshll.u32 s6, $0x1;
	s6 =	sadd.s32 s21, s4  }
0x9e: {  	[timem:s8], [sflag:s22] =	dma.local [hbm:s6], s20  }
0x9f: {  	_ =	swait.ge [sflag:s22], s20  }
0xa0: {  	s5 =	ssub.s32 $0x0, s20;
	[sflag:s22] =	ssyncset.done $0x0  }
0xa1: {  	[sflag:s22] =	ssyncadd.s32 s5;
	_ =	sdelay $0x1  }
0xa2: {  	s23 =	simm.s32 $0x1B8B  }
0xa3: {  	_ =	swait.ge [sflag:s23], $0x1  }
0xa4: {  	[sflag:s23] =	ssyncset.done $0x0  }
0xa5: {  	s25 =	simm.s32 $0x1B8E;
	s24 =	sld [smem:$0x3FFE];
	[sflag:s23] =	ssyncadd.s32 $0xFFFFFFFF  }
0xa6: {  	s26 =	simm.s32 $execute0_lowered;
	[smem:$0x3FD2] =	sst s25  }
0xa7: {  	s6 =	sshll.u32 s26, $0x1;
	_ =	strace $0x80000046;
	[dreg:$0x1] =	wrdreg $0xFFFFFFFF  }
0xa8: {  	s28 =	simm.s32 $_size_execute0_lowered;
	s4 =	sadd.s32 s4, s6;
	[dreg:$0x0] =	wrdreg $0x0  }
0xa9: {  	s6 =	sshll.u32 s28, $0x1;
	[dreg:$0x2] =	wrdreg s4  }
0xaa: {  	[dreg:$0x3] =	wrdreg s6  }
0xab: {  	[dreg:$0x4] =	wrdreg $0xC0  }
0xac: {  	_ =	task [dreg:s8], $0x5FFFF  }
0xad: {  	[dreg:$0x1] =	wrdreg $0xFFFFFFFF  }
0xae: {  	[dreg:$0x0] =	wrdreg $0x60  }
0xaf: {  	[dreg:$0x2] =	wrdreg s2  }
0xb0: {  	[dreg:$0x3] =	wrdreg s18  }
0xb1: {  	[dreg:$0x4] =	wrdreg s24  }
0xb2: {  	[dreg:$0x5] =	wrdreg $0xAA800  }
0xb3: {  	[dreg:$0x6] =	wrdreg $0x9  }
0xb4: {  	_ =	task.clear_ibuf [dreg:s8], $0x7FFFF;
	_ =	strace $0x90000046  }
0xb5: {  	s29 =	simm.s32 $0x9;
	_ =	strace $0x80000048  }
0xb6: {  	_ =	swait.ge [sflag:s29], $0x1  }
0xb7: {  	[sflag:s29] =	ssyncadd.s32 $0xFFFFFFFF  }
0xb8: {  	_ =	strace $0x90000048  }
0xb9: {  	_ =	sfence  }
0xba: {  	s30 =	sld [smem:$0x0];
	_ =	sdelay $0x2  }
0xbb: {  	s31 =	sshll.u32 s1, $0xD;
	s1 =	sshrl.u32 s1, $0x2  }
0xbc: {  	s3 =	sand.u32 $0x4000, s31;
	s1 =	sadd.s32 s1, s30  }
0xbd: {  	s0 =	sor.u32 s3, s0;
	s1 =	sshll.u32 s1, $0x11  }
0xbe: {  	s0 =	sor.u32 s1, s0  }
0xbf: {  	s0 =	sadd.s32 $0x8F2B, s0  }
0xc0: {  	[sflag:s0] =	ssyncadd.remote.s32 $0x1  }
0xc1: {  	_ =	sfence.sel $0xFFFF  }
0xc2: {  	[dreg:$0x0] =	wrdreg $0xFFFFFFFF;
	(pc) =	sbr.abs _section_cstart, $3  }
0xc3: {  	[dreg:$0x1] =	wrdreg $0xFFFFFFFF  }
0xc4: {  	_ =	task.clear_ibuf [dreg:s8], $0x2FFFF;
	_ =	strace $0x9FFFFFFF  }
0xc5: {  	(tm) =	ssettm $0x7FFFFFFF  }
tec
execute0_lowered:
.L_overlay_start_1:
0x0: {  	(tag) =	ssettag $0x1  }
0x1: {  	s7 =	rddreg [dreg:$0x0]  }
0x2: {  	s8 =	rddreg [dreg:$0x1]  }
0x3: {  	s3 =	rddreg [dreg:$0x2]  }
0x4: {  	s4 =	rddreg [dreg:$0x3]  }
0x5: {  	s0 =	rddreg [dreg:$0x4];
	s2 =	simm.s32 $0x0;
	s5 =	srdreg.scid  }
0x6: {  	s1 =	stileid.u32;
	s16 =	simm.s32 $0xA680;
	s17 =	simm.s32 $0x6  }
0x7: {  	s18 =	simm.s32 $0x4;
	s19 =	simm.s32 $0x1;
	s20 =	simm.s32 $0x68  }
0x8: {  	s21 =	simm.s32 $0x2;
	s22 =	simm.s32 $0x3;
	s23 =	simm.s32 $0x5  }
0x9: {  	[smem:$0x7FF] =	sst s2;
	s5 =	sand.u32 $0x1, s5;
	s6 =	sshll.u32 s1, $0xD  }
0xa: {  	s9 =	sshll.u32 s1, $0x9;
	s11 =	sshll.u32 s1, $0x1;
	p0 =	seq.s32 s1, $0xF  }
0xb: {  	_ =	strace $0x80000047;
	s10 =	sshll.u32 s5, $0xE;
	s9 =	sand.u32 $0x1C00, s9  }
0xc: {  	s6 =	sand.u32 $0x2000, s6;
	s11 =	sor.u32 s5, s11;
	s12 =	ssub.s32 $0x2, s5  }
0xd: {  	p1 =	seq.s32 s5, $0x1;
	s10 =	sor.u32 s10, s9;
	s13 =	smul.u32 $0x138, s11  }
0xe: {  	s14 =	sshrl.u32 s12, $0x1;
	s11 =	smul.u32 $0x1380, s11;
	s4 =	sadd.s32 s6, s4  }
0xf: {  	p0 =	por !p0, !p1;
	s10 =	sor.u32 s6, s10;
	s12 =	ssub.s32 s12, s14  }
0x10: {  	s6 =	sadd.s32 s9, s4;
	p0 =	por !p0, !p0;
	s14 =	simm.s32 $0x9C80  }
0x11: {  	s10 =	sshrl.u32 s10, $0x3;
	s24 =	sadd.s32 $0x68, s13;
	s11 =	sadd.s32 s7, s11  }
0x12: {  	s15 =	sadd.s32 $0xD0, s13;
	s13 =	sshrl.u32 s13, $0x3;
	s10 =	sadd.s32 s10, s3  }
0x13: {  	s25 =	sshll.u32 s24, $0x4;
	[dreg:$0x5] =	wrdreg s11;
	s28 =	sshll.u32 s15, $0x4  }
0x14: {  	s30 =	sadd.s32 s8, s13;
	s3 =	sshrl.u32 s24, $0x3;
	s31 =	sshrl.u32 s15, $0x3  }
0x15: {  	s11 =	simm.s32 $0x3400;
	s13 =	simm.s32 $0x9C00;
	s15 =	simm.s32 $0x9D00  }
0x16: {  	s26 =	sadd.s32 s7, s25;
	s29 =	sadd.s32 s7, s28;
	[dreg:$0x8] =	wrdreg s30  }
0x17: {  	s3 =	sadd.s32 s8, s3;
	s5 =	sadd.s32 s8, s31;
	s7 =	sadd.s32 $0x27000, s7  }
0x18: {  	s8 =	sadd.s32 $0x4E0, s8;
	s9 =	sadd.s32 $0x2200, s10;
	[dreg:$0x6] =	wrdreg s26  }
0x19: {  	v0 =	vimm.f32 $0.0e+00;
	s10 =	smax.u32 s12, $0x1;
	s12 =	simm.s32 $0x6800;
	[dreg:$0x7] =	wrdreg s29  }
.LBB2_1:
0x1a: {  	s24 =	rddreg [dreg:$0x5]  }
0x1b: {  	[tilespmem:s2], [sflag:$0x1] =	stream.linear.gather [hbm4b:s24+s2], $0x3400, $0x38;
	[tilespmem:$0xAE80] =	vst v63  }
0x1c: {  	s25 =	rddreg [dreg:$0x6]  }
0x1d: {  	[tilespmem:s11], [sflag:$0x2] =	stream.linear.gather [hbm4b:s25+s2], $0x3400, $0x38;
	[tilespmem:$0xAE80] =	vst v63  }
0x1e: {  	s28 =	rddreg [dreg:$0x7]  }
0x1f: {  	[tilespmem:s12], [sflag:$0x3] =	stream.linear.gather [hbm4b:s28+s2], $0x3400, $0x38;
	[tilespmem:$0xAE80] =	vst v63  }
0x20: {  	s29 =	rddreg [dreg:$0x8]  }
0x21: {  	[tilespmem:s13], [sflag:$0x4] =	stream.linear.gather [hbm4b:s29+s2], $0x68, $0x38;
	[tilespmem:$0xAE80] =	vst v63  }
0x22: {  	_ = 	snop  }
0x23: {  	[tilespmem:s14], [sflag:$0x4] =	stream.linear.gather [hbm4b:s3+s2], $0x68, $0x38;
	[tilespmem:$0xAE80] =	vst v63  }
0x24: {  	_ = 	snop  }
0x25: {  	[tilespmem:s15], [sflag:$0x4] =	stream.linear.gather [hbm4b:s5+s2], $0x68, $0x38;
	[tilespmem:$0xAE80] =	vst v63  }
0x26: {  	[tilespmem:$0xA680] =	vst v0  }
0x27: {  	[tilespmem:$0xA690] =	vst v0  }
0x28: {  	[tilespmem:$0xA6A0] =	vst v0  }
0x29: {  	[tilespmem:$0xA6B0] =	vst v0  }
0x2a: {  	[tilespmem:$0xA6C0] =	vst v0  }
0x2b: {  	[tilespmem:$0xA6D0] =	vst v0  }
0x2c: {  	[tilespmem:$0xA6E0] =	vst v0  }
0x2d: {  	[tilespmem:$0xA6F0] =	vst v0  }
0x2e: {  	[tilespmem:$0xA700] =	vst v0  }
0x2f: {  	[tilespmem:$0xA710] =	vst v0  }
0x30: {  	[tilespmem:$0xA720] =	vst v0  }
0x31: {  	[tilespmem:$0xA730] =	vst v0  }
0x32: {  	[tilespmem:$0xA740] =	vst v0  }
0x33: {  	[tilespmem:$0xA750] =	vst v0  }
0x34: {  	[tilespmem:$0xA760] =	vst v0  }
0x35: {  	[tilespmem:$0xA770] =	vst v0  }
0x36: {  	[tilespmem:$0xA780] =	vst v0  }
0x37: {  	[tilespmem:$0xA790] =	vst v0  }
0x38: {  	[tilespmem:$0xA7A0] =	vst v0  }
0x39: {  	[tilespmem:$0xA7B0] =	vst v0  }
0x3a: {  	[tilespmem:$0xA7C0] =	vst v0  }
0x3b: {  	[tilespmem:$0xA7D0] =	vst v0  }
0x3c: {  	[tilespmem:$0xA7E0] =	vst v0  }
0x3d: {  	[tilespmem:$0xA7F0] =	vst v0  }
0x3e: {  	[tilespmem:$0xA800] =	vst v0  }
0x3f: {  	[tilespmem:$0xA810] =	vst v0  }
0x40: {  	[tilespmem:$0xA820] =	vst v0  }
0x41: {  	[tilespmem:$0xA830] =	vst v0  }
0x42: {  	[tilespmem:$0xA840] =	vst v0  }
0x43: {  	[tilespmem:$0xA850] =	vst v0  }
0x44: {  	[tilespmem:$0xA860] =	vst v0  }
0x45: {  	[tilespmem:$0xA870] =	vst v0  }
0x46: {  	[tilespmem:$0xA880] =	vst v0  }
0x47: {  	[tilespmem:$0xA890] =	vst v0  }
0x48: {  	[tilespmem:$0xA8A0] =	vst v0  }
0x49: {  	[tilespmem:$0xA8B0] =	vst v0  }
0x4a: {  	[tilespmem:$0xA8C0] =	vst v0  }
0x4b: {  	[tilespmem:$0xA8D0] =	vst v0  }
0x4c: {  	[tilespmem:$0xA8E0] =	vst v0  }
0x4d: {  	[tilespmem:$0xA8F0] =	vst v0  }
0x4e: {  	[tilespmem:$0xA900] =	vst v0  }
0x4f: {  	[tilespmem:$0xA910] =	vst v0  }
0x50: {  	[tilespmem:$0xA920] =	vst v0  }
0x51: {  	[tilespmem:$0xA930] =	vst v0  }
0x52: {  	[tilespmem:$0xA940] =	vst v0  }
0x53: {  	[tilespmem:$0xA950] =	vst v0  }
0x54: {  	[tilespmem:$0xA960] =	vst v0  }
0x55: {  	[tilespmem:$0xA970] =	vst v0  }
0x56: {  	[tilespmem:$0xA980] =	vst v0  }
0x57: {  	[tilespmem:$0xA990] =	vst v0  }
0x58: {  	[tilespmem:$0xA9A0] =	vst v0  }
0x59: {  	[tilespmem:$0xA9B0] =	vst v0  }
0x5a: {  	[tilespmem:$0xA9C0] =	vst v0  }
0x5b: {  	[tilespmem:$0xA9D0] =	vst v0  }
0x5c: {  	[tilespmem:$0xA9E0] =	vst v0  }
0x5d: {  	[tilespmem:$0xA9F0] =	vst v0  }
0x5e: {  	[tilespmem:$0xAA00] =	vst v0  }
0x5f: {  	[tilespmem:$0xAA10] =	vst v0  }
0x60: {  	[tilespmem:$0xAA20] =	vst v0  }
0x61: {  	[tilespmem:$0xAA30] =	vst v0  }
0x62: {  	[tilespmem:$0xAA40] =	vst v0  }
0x63: {  	[tilespmem:$0xAA50] =	vst v0  }
0x64: {  	[tilespmem:$0xAA60] =	vst v0  }
0x65: {  	[tilespmem:$0xAA70] =	vst v0  }
0x66: {  	[spmem:s6] =	stream.linear.scatter [tilespmem:s16], [sflag:$0x6], $0x400, $0x38;
	[tilespmem:$0xAE80] =	vst v63  }
0x67: {  	_ =	swait.ge [sflag:s17], $0x400  }
0x68: {  	[sflag:s17] =	ssyncset.done $0x0  }
0x69: {  	[sflag:s17] =	ssyncadd.s32 $0xFFFFFC00  }
0x6a: {  	_ =	swait.ge [sflag:s18], $0x68  }
0x6b: {  	[sflag:s18] =	ssyncset.done $0x0  }
0x6c: {  	[sflag:s18] =	ssyncadd.s32 $0xFFFFFF98  }
0x6d: {  	_ =	swait.ge [sflag:s18], $0x68  }
0x6e: {  	[sflag:s18] =	ssyncset.done $0x0  }
0x6f: {  	[sflag:s18] =	ssyncadd.s32 $0xFFFFFF98  }
0x70: {  	_ =	swait.ge [sflag:s18], $0x68  }
0x71: {  	[sflag:s18] =	ssyncset.done $0x0  }
0x72: {  	[sflag:s18] =	ssyncadd.s32 $0xFFFFFF98  }
0x73: {  	[bflag:$0x0] =	sbarrier.arrive $0xFFFF  }
0x74: {  	_ =	swait.ge [sflag:s19], $0x3400  }
0x75: {  	[sflag:s19] =	ssyncset.done $0x0  }
0x76: {  	[sflag:s19] =	ssyncadd.s32 $0xFFFFCC00  }
0x77: {  	[spmem:s4] =	stream.indirect.scatter.add.f32 [tilespmem:s2], [sflag:$0x5], $0x80, s13, s20, $0xb8;
	[tilespmem:$0xAE80] =	vst v63  }
0x78: {  	_ =	swait.ge [sflag:s21], $0x3400  }
0x79: {  	[sflag:s21] =	ssyncset.done $0x0  }
0x7a: {  	[sflag:s21] =	ssyncadd.s32 $0xFFFFCC00  }
0x7b: {  	[spmem:s4] =	stream.indirect.scatter.add.f32 [tilespmem:s11], [sflag:$0x5], $0x80, s14, s20, $0xb8;
	[tilespmem:$0xAE80] =	vst v63  }
0x7c: {  	_ =	swait.ge [sflag:s22], $0x3400  }
0x7d: {  	[sflag:s22] =	ssyncset.done $0x0  }
0x7e: {  	[sflag:s22] =	ssyncadd.s32 $0xFFFFCC00  }
0x7f: {  	[spmem:s4] =	stream.indirect.scatter.add.f32 [tilespmem:s12], [sflag:$0x5], $0x80, s15, s20, $0xb8;
	[tilespmem:$0xAE80] =	vst v63  }
0x80: {  	s26 =	simm.s32 @p0 $0x6;
	s24 =	simm.s32 @p0 $0x0;
	s25 =	simm.s32 @p0 $0x9E00  }
0x81: {  	[tilespmem:s25], [sflag:$0x6] =	stream.linear.gather @p0 [hbm4b:s7+s24], $0x800, $0x38;
	[tilespmem:$0xAE80] =	vst v63  }
0x82: {  	_ =	swait.ge @p0 [sflag:s26], $0x800  }
0x83: {  	[sflag:s26] =	ssyncset.done @p0 $0x0  }
0x84: {  	s28 =	simm.s32 @p0 $0xA600;
	[sflag:s26] =	ssyncadd.s32 @p0 $0xFFFFF800  }
0x85: {  	[tilespmem:s28], [sflag:$0x6] =	stream.linear.gather @p0 [hbm4b:s8+s24], $0x10, $0x38;
	[tilespmem:$0xAE80] =	vst v63  }
0x86: {  	_ =	swait.ge @p0 [sflag:s26], $0x10  }
0x87: {  	[sflag:s26] =	ssyncset.done @p0 $0x0  }
0x88: {  	s24 =	simm.s32 @p0 $0x10;
	[sflag:s26] =	ssyncadd.s32 @p0 $0xFFFFFFF0  }
0x89: {  	[spmem:s4] =	stream.indirect.scatter.add.f32 @p0 [tilespmem:s25], [sflag:$0x6], $0x80, s28, s24, $0xb8;
	[tilespmem:$0xAE80] =	vst v63  }
0x8a: {  	_ =	swait.ge @p0 [sflag:s26], $0x800  }
0x8b: {  	[sflag:s26] =	ssyncset.done @p0 $0x0  }
0x8c: {  	[sflag:s26] =	ssyncadd.s32 @p0 $0xFFFFF800  }
0x8d: {  	_ =	swait.ge [sflag:s23], $0x3400  }
0x8e: {  	[sflag:s23] =	ssyncset.done $0x0  }
0x8f: {  	[sflag:s23] =	ssyncadd.s32 $0xFFFFCC00  }
0x90: {  	_ =	swait.ge [sflag:s23], $0x3400  }
0x91: {  	[sflag:s23] =	ssyncset.done $0x0  }
0x92: {  	[sflag:s23] =	ssyncadd.s32 $0xFFFFCC00  }
0x93: {  	_ =	swait.ge [sflag:s23], $0x3400  }
0x94: {  	s30 =	sshll.u32 s1, $0x6;
	s10 =	sadd.s32 $0xFFFFFFFF, s10;
	[sflag:s23] =	ssyncset.done $0x0  }
0x95: {  	s31 =	sshrl.u32 s6, $0x3;
	p1 =	sne.s32 s10, $0x0;
	[sflag:s23] =	ssyncadd.s32 $0xFFFFCC00  }
.Ltmp0:
0x96: {  	s24 =	sor.u32 $0x1C06, s30;
	[bflag:$0x0] =	sbarrier.arrive $0xFFFF;
	(pc) =	sbr.rel @p1 .LBB2_1-.Ltmp0, $4  }
0x97: {  	[hbm:s9], [sflag:s24] =	dma.local [spmem:s31], $0x80  }
0x98: {  	_ =	swait.ge [sflag:s17], $0x80  }
0x99: {  	[sflag:s17] =	ssyncset.done $0x0  }
0x9a: {  	[sflag:s17] =	ssyncadd.s32 $0xFFFFFF80  }
0x9b: {  	_ =	sfence.sel $0x180000  }
0x9c: {  	[bflag:$0x0] =	sbarrier.arrive $0xFFFF  }
0x9d: {  	p0 =	sne.s32 s1, $0x0;
	_ =	strace $0x90000047  }
0x9e: {  	s0 =	sadd.s32 @!p0 $0x100000, s0;
	[bflag:$0x2] =	sbarrier.arrive $0xFFFF  }
0x9f: {  	[sflag:s0] =	ssyncadd.tile.s32 @!p0 $0x1;
	_ =	shalt  }
.Lfunc_end2:
_tile_overlayer_lowered:
.L_overlay_start_2:
0xa0: {  	(tag) =	ssettag $0x2  }
0xa1: {  	s0 =	rddreg [dreg:$0x0];
	s2 =	stileid.u32  }
0xa2: {  	s1 =	rddreg [dreg:$0x1];
	p0 =	sne.s32 s2, $0x0  }
0xa3: {  	s3 =	rddreg [dreg:$0x2];
	[bflag:$0x3] =	sbarrier.arrive $0xFFFF;
	s2 =	simm.s32 @!p0 $0x1C06  }
0xa4: {  	[timem:s3], [sflag:s2] =	dma.local @!p0 [hbm:s0], s1  }
0xa5: {  	s0 =	simm.s32 @!p0 $0x6  }
0xa6: {  	_ =	swait.ge @!p0 [sflag:s0], s1  }
0xa7: {  	s1 =	ssub.s32 @!p0 $0x0, s1;
	[sflag:s0] =	ssyncset.done @!p0 $0x0  }
0xa8: {  	[sflag:s0] =	ssyncadd.s32 @!p0 s1  }
0xa9: {  	[bflag:$0x3] =	sbarrier.arrive $0xFFFF  }
0xaa: {  	_ =	shalt  }

</sc_bundles>
